<compile_context>
chip_gen: v7x
topology: tpu7x:2x2x1
jax: 0.10.2.dev20260603
libtpu: 0.0.44.dev20260713+nightly
codegen_flags: <defaults>
</compile_context>

<pallas_src>
import functools

import jax
import jax.numpy as jnp
from jax import lax
from jax.experimental import pallas as pl
from jax.experimental.pallas import tpu as pltpu
from jax.experimental.pallas import tpu_sc as plsc

NUM_USERS = 1000000
NUM_ITEMS = 1000000
EMB = 32
B, L = 4096, 50
N = B * L
CH = 128
NC, NS = 2, 16
NW = NC * NS
CPT = N // (NW * CH)
PR = 16
KG = 10
CROWS = 8192
N_BLK = N // CROWS
NSUB = CROWS // 1024
TBW = 32768


def _scatter_pos_body(item_hbm, pval_hbm, pos_hbm, idx_v, src_v, sem):
    wid = lax.axis_index("s") * NC + lax.axis_index("c")
    pltpu.sync_copy(item_hbm.at[wid], idx_v)

    def group(g, carry):
        pltpu.sync_copy(pval_hbm.at[wid, pl.ds(g * KG, KG)], src_v)
        for j in range(KG):
            pltpu.async_copy(
                src_v.at[j], pos_hbm.at[idx_v.at[g * KG + j]], sem
            )
        for j in range(KG):
            pltpu.make_async_copy(
                src_v.at[j], pos_hbm.at[idx_v.at[g * KG + j]], sem
            ).wait()
        return carry

    lax.fori_loop(0, CPT // KG, group, 0)


def _gather_one_body(idx_hbm, tab_hbm, out_hbm, idx_v, buf, gsem):
    wid = lax.axis_index("s") * NC + lax.axis_index("c")
    base = wid * CPT
    pltpu.sync_copy(idx_hbm.at[wid], idx_v)

    def chunk(j, carry):
        cg = pltpu.async_copy(tab_hbm.at[idx_v.at[j]], buf, gsem)
        cg.wait()
        p0 = (base + j) * CH
        sl = pl.ds(0, EMB)
        pltpu.sync_copy(
            buf.at[:, sl],
            out_hbm.at[p0 // CROWS, pl.ds(p0 % CROWS, CH), sl],
        )
        return carry

    lax.fori_loop(0, CPT, chunk, 0)


def _gather_it_body(item_hbm, item16_hbm, pos_hbm, it_hbm, ite_hbm, q_hbm,
                    iidx_v, i16_v, tbuf, qacc_v, gsem):
    wid = lax.axis_index("s") * NC + lax.axis_index("c")
    base = wid * CPT
    pltpu.sync_copy(item_hbm.at[wid], iidx_v)
    pltpu.sync_copy(item16_hbm.at[wid], i16_v)

    def chunk(j, carry):
        ct = pltpu.async_copy(it_hbm.at[iidx_v.at[j]], tbuf, gsem)
        cq = pltpu.async_copy(
            pos_hbm.at[i16_v.at[j]], qacc_v.at[pl.ds(j * CH, CH)], gsem
        )
        ct.wait()
        cq.wait()
        p0 = (base + j) * CH
        sl = pl.ds(0, EMB)
        pltpu.sync_copy(
            tbuf.at[:, sl],
            ite_hbm.at[p0 // CROWS, pl.ds(p0 % CROWS, CH), sl],
        )
        return carry

    lax.fori_loop(0, CPT, chunk, 0)
    pltpu.sync_copy(qacc_v, q_hbm.at[pl.ds(wid * CPT * CH, CPT * CH)])


@functools.cache
def _sc_kernels():
    mesh = plsc.VectorSubcoreMesh(
        core_axis_name="c", subcore_axis_name="s", num_cores=NC, num_subcores=NS
    )
    params = pltpu.CompilerParams(use_tc_tiling_on_sc=False)
    scatter_pos = pl.kernel(
        _scatter_pos_body,
        out_type=jax.ShapeDtypeStruct((NUM_ITEMS, PR), jnp.int32),
        mesh=mesh,
        scratch_types=[
            pltpu.VMEM((CPT, CH), jnp.int32),
            pltpu.VMEM((KG, CH, PR), jnp.int32),
            pltpu.SemaphoreType.DMA,
        ],
        name="sc_scatter_pos",
        compiler_params=params,
    )
    gather_one = pl.kernel(
        _gather_one_body,
        out_type=jax.ShapeDtypeStruct((N_BLK, CROWS, 128), jnp.float32),
        mesh=mesh,
        scratch_types=[
            pltpu.VMEM((CPT, CH), jnp.int32),
            pltpu.VMEM((CH, 128), jnp.float32),
            pltpu.SemaphoreType.DMA,
        ],
        name="sc_gather_one",
        compiler_params=params,
    )
    gather_it = pl.kernel(
        _gather_it_body,
        out_type=(
            jax.ShapeDtypeStruct((N_BLK, CROWS, 128), jnp.float32),
            jax.ShapeDtypeStruct((N,), jnp.int32),
        ),
        mesh=mesh,
        scratch_types=[
            pltpu.VMEM((CPT, CH), jnp.int32),
            pltpu.VMEM((CPT, CH), jnp.int32),
            pltpu.VMEM((CH, 128), jnp.float32),
            pltpu.VMEM((CPT * CH,), jnp.int32),
            pltpu.SemaphoreType.DMA,
        ],
        name="sc_gather_it",
        compiler_params=params,
    )
    return scatter_pos, gather_one, gather_it


_TSL = 4


def _transpose_body(t_ref, out_ref):
    sl = TBW // _TSL
    for s in range(_TSL):
        cols = pl.ds(s * sl, sl)
        rows = pl.ds(s * sl, sl)
        out_ref[rows, pl.ds(0, EMB)] = t_ref[:, cols].T


_N_TBLK = -(-NUM_ITEMS // TBW)
_transpose1 = pl.pallas_call(
    _transpose_body,
    grid=(_N_TBLK,),
    in_specs=[pl.BlockSpec((EMB, TBW), lambda i: (0, i))],
    out_specs=pl.BlockSpec((TBW, 128), lambda i: (i, 0)),
    out_shape=jax.ShapeDtypeStruct((NUM_ITEMS, 128), jnp.float32),
    compiler_params=pltpu.CompilerParams(vmem_limit_bytes=100 * 1024 * 1024),
)


def _compute_body(ue_ref, ice_ref, ite_ref, lab_ref, w_ref, q_ref, *outs):
    i = pl.program_id(0)
    u = ue_ref[0]
    c = ice_ref[0]
    t = ite_ref[0]
    lab = lab_ref[0]
    w = w_ref[0]
    q = q_ref[0]

    valid = (
        lax.broadcasted_iota(jnp.int32, (CROWS, 128), 1) < EMB
    )
    ones = jnp.ones((128, 1), jnp.float32)

    def rowsum_t(x):
        xz = jnp.where(valid, x, 0.0)
        rows = [
            lax.dot_general(
                ones,
                lax.slice(xz, (s * 1024, 0), ((s + 1) * 1024, 128)),
                (((0,), (1,)), ((), ())),
            )
            for s in range(NSUB)
        ]
        return jnp.concatenate(rows, axis=0)

    sc = rowsum_t(u * c)
    st = rowsum_t(u * t)
    d = c - t
    s = rowsum_t(d * d)

    pidx = (
        i * CROWS
        + lax.broadcasted_iota(jnp.int32, (NSUB, 1024), 0) * 1024
        + lax.broadcasted_iota(jnp.int32, (NSUB, 1024), 1)
    )
    winf = (q == pidx).astype(jnp.float32)
    nw = 1.0 - w

    def bce(x):
        return jnp.maximum(x, 0.0) - x * lab + jnp.log1p(jnp.exp(-jnp.abs(x)))

    sig = lambda x: 1.0 / (1.0 + jnp.exp(-x))
    sums = (
        jnp.sum(bce(sc) * nw),
        jnp.sum(bce(st) * w),
        jnp.sum(jnp.abs(sig(sc) - lab) * nw),
        jnp.sum(jnp.abs(sig(st) - lab) * w),
        jnp.sum(w),
        jnp.sum(s * winf),
        jnp.sum(winf),
    )
    for o_ref, val in zip(outs, sums):
        @pl.when(i == 0)
        def _init(o_ref=o_ref):
            o_ref[...] = jnp.zeros_like(o_ref)

        o_ref[...] += val


_N_SUMS = 7
_compute = pl.pallas_call(
    _compute_body,
    grid=(N_BLK,),
    in_specs=[
        pl.BlockSpec((1, CROWS, 128), lambda i: (i, 0, 0)),
        pl.BlockSpec((1, CROWS, 128), lambda i: (i, 0, 0)),
        pl.BlockSpec((1, CROWS, 128), lambda i: (i, 0, 0)),
        pl.BlockSpec((1, NSUB, 1024), lambda i: (i, 0, 0)),
        pl.BlockSpec((1, NSUB, 1024), lambda i: (i, 0, 0)),
        pl.BlockSpec((1, NSUB, 1024), lambda i: (i, 0, 0)),
    ],
    out_specs=[pl.BlockSpec((1, 128), lambda i: (0, 0))] * _N_SUMS,
    out_shape=[jax.ShapeDtypeStruct((1, 128), jnp.float32)] * _N_SUMS,
)


def kernel(user, item, label, mask, users, items_control, items_treatment):
    user3d = user.reshape(NW, CPT, CH)
    item3d = item.reshape(NW, CPT, CH)
    pval4d = jnp.broadcast_to(
        jnp.arange(N, dtype=jnp.int32)[:, None], (N, PR)
    ).reshape(NW, CPT, CH, PR)
    item16_3d = (item * PR).reshape(NW, CPT, CH)

    _scatter_pos, _gather_one, _gather_it = _sc_kernels()
    pos = _scatter_pos(item3d, pval4d)

    users_rm = _transpose1(users.T)
    ue = _gather_one(user3d, users_rm)
    ic_rm = _transpose1(items_control.T)
    ice = _gather_one(item3d, ic_rm)
    it_rm = _transpose1(items_treatment.T)
    ite, qflat = _gather_it(
        item3d, item16_3d, pos.reshape(NUM_ITEMS * PR), it_rm
    )

    lab3 = label.reshape(N_BLK, NSUB, 1024)
    w3 = jnp.broadcast_to(
        mask.astype(jnp.float32)[:, None], (B, L)
    ).reshape(N_BLK, NSUB, 1024)
    q3 = qflat.reshape(N_BLK, NSUB, 1024)

    sums = _compute(ue, ice, ite, lab3, w3, q3)
    s_bce_c, s_bce_t, s_dc, s_dt, s_w, s_sw, s_win = (o[0, 0] for o in sums)

    seq_len = jnp.float32(L)
    cnt_t = s_w / seq_len
    cnt_c = jnp.float32(B) - cnt_t
    control_loss = s_bce_c / (cnt_c * seq_len)
    treatment_loss = s_bce_t / (cnt_t * seq_len)
    control_distance = s_dc / (cnt_c * seq_len)
    treatment_distance = s_dt / (cnt_t * seq_len)
    discrepancy_loss = s_sw / (s_win * jnp.float32(EMB))
    return (control_loss, treatment_loss, discrepancy_loss,
            control_distance, treatment_distance)

# --- scband reference (transcript-rebuilt; emitter-appended) ---
"""Pipeline reference for scband-caus-e-21852793602102 (READ-ONLY COPY).

The authoritative reference and input builder live on the scoring server;
editing this copy changes nothing except your own understanding.
"""

import jax, jax.numpy as jnp
import numpy as np
import math

NUM_USERS = 1000000
NUM_ITEMS = 1000000
EMB = 32
B, L = 4096, 50


def bce_with_logits(x, y):
    # mean( max(x,0) - x*y + log(1+exp(-|x|)) ), matches nn.BCEWithLogitsLoss
    return jnp.mean(jnp.maximum(x, 0.0) - x * y + jnp.log1p(jnp.exp(-jnp.abs(x))))


def setup_inputs(seed: int = 0) -> dict:
    key = jax.random.key(seed)
    ks = jax.random.split(key, 7)
    stdv = 1.0 / math.sqrt(EMB)
    users = jax.random.uniform(ks[0], (NUM_USERS, EMB), minval=-stdv, maxval=stdv, dtype=jnp.float32)
    items_control = jax.random.uniform(ks[1], (NUM_ITEMS, EMB), minval=-stdv, maxval=stdv, dtype=jnp.float32)
    items_treatment = jax.random.uniform(ks[2], (NUM_ITEMS, EMB), minval=-stdv, maxval=stdv, dtype=jnp.float32)
    user = jax.random.randint(ks[3], (B, L), 0, NUM_USERS, dtype=jnp.int64 if jax.config.jax_enable_x64 else jnp.int32)
    item = jax.random.randint(ks[4], (B, L), 0, NUM_ITEMS, dtype=jnp.int64 if jax.config.jax_enable_x64 else jnp.int32)
    label = jax.random.uniform(ks[5], (B, L), dtype=jnp.float32)
    mask = jax.random.randint(ks[6], (B,), 0, 2).astype(bool)
    return {"user": user, "item": item, "label": label, "mask": mask,
            "users": users, "items_control": items_control, "items_treatment": items_treatment}


def reference(user, item, label, mask, users, items_control, items_treatment):
    not_mask = jnp.logical_not(mask)
    seq_len = label.shape[1]
    maskf = mask.astype(label.dtype)[:, None]
    not_maskf = not_mask.astype(label.dtype)[:, None]

    user_emb = users[user]                              # [B, L, d]
    item_c_emb = items_control[item]                    # [B, L, d]
    item_t_emb = items_treatment[item]                  # [B, L, d]

    # control branch
    score_control = jnp.sum(user_emb * item_c_emb, axis=2)  # [B, L]
    elem_control = (jnp.maximum(score_control, 0.0) - score_control * label
                    + jnp.log1p(jnp.exp(-jnp.abs(score_control))))
    cnt_control = jnp.sum(not_maskf)
    control_loss = jnp.sum(elem_control * not_maskf) / (cnt_control * seq_len)
    control_distance = (jnp.sum(jnp.abs(jax.nn.sigmoid(score_control) - label) * not_maskf)
                        / (cnt_control * seq_len))

    # treatment branch
    score_treatment = jnp.sum(user_emb * item_t_emb, axis=2)
    elem_treatment = (jnp.maximum(score_treatment, 0.0) - score_treatment * label
                      + jnp.log1p(jnp.exp(-jnp.abs(score_treatment))))
    cnt_treatment = jnp.sum(maskf)
    treatment_loss = jnp.sum(elem_treatment * maskf) / (cnt_treatment * seq_len)
    treatment_distance = (jnp.sum(jnp.abs(jax.nn.sigmoid(score_treatment) - label) * maskf)
                          / (cnt_treatment * seq_len))

    # counterfactual discrepancy
    present = jnp.zeros((items_control.shape[0],), dtype=bool).at[item.ravel()].set(True)
    sq_rows = jnp.sum((items_control - items_treatment) ** 2, axis=1)  # [NUM_ITEMS]
    num_unique = jnp.sum(present.astype(sq_rows.dtype))
    discrepancy_loss = jnp.sum(jnp.where(present, sq_rows, 0.0)) / (num_unique * items_control.shape[1])

    return (control_loss, treatment_loss, discrepancy_loss, control_distance, treatment_distance)

if __name__ == "__main__":
    import jax
    _d = setup_inputs()
    print(jax.jit(kernel)(*tuple(_d.values())))

</pallas_src>

<mosaic_0001>
#map = affine_map<(d0, d1) -> (0, 0, 0)>
#map1 = affine_map<(d0, d1) -> (0, 0)>
module attributes {stable_mosaic.version = 14 : i64} {
  func.func @sc_gather_one(%arg0: i32, %arg1: i32, %arg2: memref<32x50x128xi32, #tpu.memory_space<hbm>>, %arg3: memref<1000000x128xf32, #tpu.memory_space<hbm>>, %arg4: memref<25x8192x128xf32, #tpu.memory_space<hbm>>, %arg5: memref<50x128xi32, #tpu.memory_space<vmem>>, %arg6: memref<128x128xf32, #tpu.memory_space<vmem>>, %arg7: memref<!tpu.dma_semaphore, #tpu.memory_space<semaphore_mem>>) attributes {dimension_semantics = [#tpu.dimension_semantics<core_parallel>, #tpu.dimension_semantics<subcore_parallel>], iteration_bounds = array<i64: 2, 16>, scalar_prefetch = 0 : i64, scratch_operands = 3 : i64, tpu.core_type = #tpu.core_type<sc_vector_subcore>, window_params = [{transform_indices = #map}, {transform_indices = #map1}, {transform_indices = #map}]} {
    %mul3A = arith.constant 2 : i32
    %mul3A_0 = arith.muli %arg1, %mul3A : i32
    %add3A = arith.addi %mul3A_0, %arg0 : i32
    %mul3A_1 = arith.constant 50 : i32
    %mul3A_2 = arith.muli %add3A, %mul3A_1 : i32
    "tpu.region"() ({
      %run_scoped3A = tpu.sem_alloc : memref<!tpu.dma_semaphore, #tpu.memory_space<semaphore_mem>>
      %dma_start3A = arith.constant 0 : i32
      %dma_start3A_8 = arith.constant 0 : i32
      %dma_start3A_9 = tpu.memref_slice %arg2[%add3A, %dma_start3A, %dma_start3A_8] : memref<32x50x128xi32, #tpu.memory_space<hbm>> -> memref<1x50x128xi32, #tpu.memory_space<hbm>>
      %dma_start3A_10 = tpu.memref_squeeze %dma_start3A_9 : memref<1x50x128xi32, #tpu.memory_space<hbm>> -> memref<50x128xi32, #tpu.memory_space<hbm>>
      %dma_start3A_11 = arith.constant 0 : i32
      %dma_start3A_12 = arith.constant 0 : i32
      %dma_start3A_13 = tpu.memref_slice %arg2[%add3A, %dma_start3A_11, %dma_start3A_12] : memref<32x50x128xi32, #tpu.memory_space<hbm>> -> memref<1x50x128xi32, #tpu.memory_space<hbm>>
      %dma_start3A_14 = tpu.memref_squeeze %dma_start3A_13 : memref<1x50x128xi32, #tpu.memory_space<hbm>> -> memref<50x128xi32, #tpu.memory_space<hbm>>
      tpu.enqueue_dma source(%dma_start3A_14 : memref<50x128xi32, #tpu.memory_space<hbm>>) target(%arg5 : memref<50x128xi32, #tpu.memory_space<vmem>>) target_semaphore(%run_scoped3A : memref<!tpu.dma_semaphore, #tpu.memory_space<semaphore_mem>>)
      %dma_wait3A = arith.constant 0 : i32
      %dma_wait3A_15 = arith.constant 0 : i32
      %dma_wait3A_16 = tpu.memref_slice %arg2[%add3A, %dma_wait3A, %dma_wait3A_15] : memref<32x50x128xi32, #tpu.memory_space<hbm>> -> memref<1x50x128xi32, #tpu.memory_space<hbm>>
      %dma_wait3A_17 = tpu.memref_squeeze %dma_wait3A_16 : memref<1x50x128xi32, #tpu.memory_space<hbm>> -> memref<50x128xi32, #tpu.memory_space<hbm>>
      %dma_wait3A_18 = arith.constant 0 : i32
      %dma_wait3A_19 = arith.constant 0 : i32
      %dma_wait3A_20 = tpu.memref_slice %arg2[%add3A, %dma_wait3A_18, %dma_wait3A_19] : memref<32x50x128xi32, #tpu.memory_space<hbm>> -> memref<1x50x128xi32, #tpu.memory_space<hbm>>
      %dma_wait3A_21 = tpu.memref_squeeze %dma_wait3A_20 : memref<1x50x128xi32, #tpu.memory_space<hbm>> -> memref<50x128xi32, #tpu.memory_space<hbm>>
      tpu.wait_dma2 semaphore(%run_scoped3A : memref<!tpu.dma_semaphore, #tpu.memory_space<semaphore_mem>>) src(%dma_wait3A_21 : memref<50x128xi32, #tpu.memory_space<hbm>>) dst(%arg5 : memref<50x128xi32, #tpu.memory_space<vmem>>)
      tpu.yield
    }) : () -> ()
    %scan3A = arith.constant 0 : i32
    %scan3A_3 = arith.constant 0 : i32
    %scan3A_4 = arith.constant 50 : i32
    %scan3A_5 = arith.addi %scan3A_3, %scan3A_4 : i32
    %scan3A_6 = arith.constant 1 : i32
    scf.for %scan3A_8 = %scan3A_3 to %scan3A_5 step %scan3A_6  : i32 {
      %dma_start3A = arith.constant 0 : i32
      %dma_start3A_9 = tpu.memref_slice %arg5[%scan3A_8, %dma_start3A] : memref<50x128xi32, #tpu.memory_space<vmem>> -> memref<1x128xi32, #tpu.memory_space<vmem>>
      %dma_start3A_10 = tpu.memref_squeeze %dma_start3A_9 : memref<1x128xi32, #tpu.memory_space<vmem>> -> memref<128xi32, #tpu.memory_space<vmem>>
      %dma_start3A_11 = arith.constant 0 : i32
      %dma_start3A_12 = arith.constant 0 : i32
      %dma_start3A_13 = tpu.memref_slice %arg3[%dma_start3A_11, %dma_start3A_12] : memref<1000000x128xf32, #tpu.memory_space<hbm>> -> memref<1000000x128xf32, #tpu.memory_space<hbm>>
      tpu.enqueue_indirect_dma source(%dma_start3A_13 : memref<1000000x128xf32, #tpu.memory_space<hbm>>) target(%arg6 : memref<128x128xf32, #tpu.memory_space<vmem>>) offsets(%dma_start3A_10 : memref<128xi32, #tpu.memory_space<vmem>>) semaphore(%arg7 : memref<!tpu.dma_semaphore, #tpu.memory_space<semaphore_mem>>)
      %dma_wait3A = arith.constant 0 : i32
      %dma_wait3A_14 = tpu.memref_slice %arg5[%scan3A_8, %dma_wait3A] : memref<50x128xi32, #tpu.memory_space<vmem>> -> memref<1x128xi32, #tpu.memory_space<vmem>>
      %dma_wait3A_15 = tpu.memref_squeeze %dma_wait3A_14 : memref<1x128xi32, #tpu.memory_space<vmem>> -> memref<128xi32, #tpu.memory_space<vmem>>
      %dma_wait3A_16 = arith.constant 0 : i32
      %dma_wait3A_17 = arith.constant 0 : i32
      %dma_wait3A_18 = tpu.memref_slice %arg3[%dma_wait3A_16, %dma_wait3A_17] : memref<1000000x128xf32, #tpu.memory_space<hbm>> -> memref<1000000x128xf32, #tpu.memory_space<hbm>>
      tpu.wait_indirect_dma semaphore(%arg7 : memref<!tpu.dma_semaphore, #tpu.memory_space<semaphore_mem>>) src(%dma_wait3A_18 : memref<1000000x128xf32, #tpu.memory_space<hbm>>) dst(%arg6 : memref<128x128xf32, #tpu.memory_space<vmem>>)
      %add3A_19 = arith.addi %mul3A_2, %scan3A_8 : i32
      %mul3A_20 = arith.constant 128 : i32
      %mul3A_21 = arith.muli %add3A_19, %mul3A_20 : i32
      %jit3A = arith.constant 8192 : i32
      %div3A = arith.divsi %mul3A_21, %jit3A : i32
      %sign3A = arith.constant 0 : i32
      %sign3A_22 = arith.cmpi sgt, %mul3A_21, %sign3A : i32
      %sign3A_23 = arith.extui %sign3A_22 : i1 to i32
      %sign3A_24 = arith.constant 0 : i32
      %sign3A_25 = arith.cmpi slt, %mul3A_21, %sign3A_24 : i32
      %sign3A_26 = arith.extui %sign3A_25 : i1 to i32
      %sign3A_27 = arith.subi %sign3A_23, %sign3A_26 : i32
      %sign3A_28 = arith.constant 0 : i32
      %sign3A_29 = arith.cmpi sgt, %jit3A, %sign3A_28 : i32
      %sign3A_30 = arith.extui %sign3A_29 : i1 to i32
      %sign3A_31 = arith.constant 0 : i32
      %sign3A_32 = arith.cmpi slt, %jit3A, %sign3A_31 : i32
      %sign3A_33 = arith.extui %sign3A_32 : i1 to i32
      %sign3A_34 = arith.subi %sign3A_30, %sign3A_33 : i32
      %ne3A = arith.cmpi ne, %sign3A_27, %sign3A_34 : i32
      %rem3A = arith.remsi %mul3A_21, %jit3A : i32
      %ne3A_35 = arith.constant 0 : i32
      %ne3A_36 = arith.cmpi ne, %rem3A, %ne3A_35 : i32
      %and3A = arith.andi %ne3A, %ne3A_36 : i1
      %sub3A = arith.constant 1 : i32
      %sub3A_37 = arith.subi %div3A, %sub3A : i32
      %select_n3A = arith.select %and3A, %sub3A_37, %div3A : i32
      %jit3A_38 = arith.constant 8192 : i32
      %eq3A = arith.constant 0 : i32
      %eq3A_39 = arith.cmpi eq, %jit3A_38, %eq3A : i32
      %jit3A_40 = arith.constant 1 : i32
      %select_n3A_41 = arith.select %eq3A_39, %jit3A_40, %jit3A_38 : i32
      %rem3A_42 = arith.remsi %mul3A_21, %select_n3A_41 : i32
      %ne3A_43 = arith.constant 0 : i32
      %ne3A_44 = arith.cmpi ne, %rem3A_42, %ne3A_43 : i32
      %lt3A = arith.constant 0 : i32
      %lt3A_45 = arith.cmpi slt, %rem3A_42, %lt3A : i32
      %lt3A_46 = arith.constant 0 : i32
      %lt3A_47 = arith.cmpi slt, %select_n3A_41, %lt3A_46 : i32
      %ne3A_48 = arith.xori %lt3A_45, %lt3A_47 : i1
      %and3A_49 = arith.andi %ne3A_48, %ne3A_44 : i1
      %add3A_50 = arith.addi %rem3A_42, %select_n3A_41 : i32
      %select_n3A_51 = arith.select %and3A_49, %add3A_50, %rem3A_42 : i32
      "tpu.region"() ({
        %run_scoped3A = tpu.sem_alloc : memref<!tpu.dma_semaphore, #tpu.memory_space<semaphore_mem>>
        %dma_start3A_52 = arith.constant 0 : i32
        %dma_start3A_53 = arith.constant 0 : i32
        %dma_start3A_54 = tpu.memref_slice %arg6[%dma_start3A_52, %dma_start3A_53] : memref<128x128xf32, #tpu.memory_space<vmem>> -> memref<128x32xf32, #tpu.memory_space<vmem>>
        %dma_start3A_55 = arith.constant 0 : i32
        %dma_start3A_56 = tpu.memref_slice %arg4[%select_n3A, %select_n3A_51, %dma_start3A_55] : memref<25x8192x128xf32, #tpu.memory_space<hbm>> -> memref<1x128x32xf32, #tpu.memory_space<hbm>>
        %dma_start3A_57 = tpu.memref_squeeze %dma_start3A_56 : memref<1x128x32xf32, #tpu.memory_space<hbm>> -> memref<128x32xf32, #tpu.memory_space<hbm>>
        %dma_start3A_58 = arith.constant 0 : i32
        %dma_start3A_59 = tpu.memref_slice %arg4[%select_n3A, %select_n3A_51, %dma_start3A_58] : memref<25x8192x128xf32, #tpu.memory_space<hbm>> -> memref<1x128x32xf32, #tpu.memory_space<hbm>>
        %dma_start3A_60 = tpu.memref_squeeze %dma_start3A_59 : memref<1x128x32xf32, #tpu.memory_space<hbm>> -> memref<128x32xf32, #tpu.memory_space<hbm>>
        %dma_start3A_61 = arith.constant 0 : i32
        %dma_start3A_62 = arith.constant 0 : i32
        %dma_start3A_63 = tpu.memref_slice %arg6[%dma_start3A_61, %dma_start3A_62] : memref<128x128xf32, #tpu.memory_space<vmem>> -> memref<128x32xf32, #tpu.memory_space<vmem>>
        tpu.enqueue_dma source(%dma_start3A_63 : memref<128x32xf32, #tpu.memory_space<vmem>>) target(%dma_start3A_60 : memref<128x32xf32, #tpu.memory_space<hbm>>) target_semaphore(%run_scoped3A : memref<!tpu.dma_semaphore, #tpu.memory_space<semaphore_mem>>)
        %dma_wait3A_64 = arith.constant 0 : i32
        %dma_wait3A_65 = arith.constant 0 : i32
        %dma_wait3A_66 = tpu.memref_slice %arg6[%dma_wait3A_64, %dma_wait3A_65] : memref<128x128xf32, #tpu.memory_space<vmem>> -> memref<128x32xf32, #tpu.memory_space<vmem>>
        %dma_wait3A_67 = arith.constant 0 : i32
        %dma_wait3A_68 = tpu.memref_slice %arg4[%select_n3A, %select_n3A_51, %dma_wait3A_67] : memref<25x8192x128xf32, #tpu.memory_space<hbm>> -> memref<1x128x32xf32, #tpu.memory_space<hbm>>
        %dma_wait3A_69 = tpu.memref_squeeze %dma_wait3A_68 : memref<1x128x32xf32, #tpu.memory_space<hbm>> -> memref<128x32xf32, #tpu.memory_space<hbm>>
        %dma_wait3A_70 = arith.constant 0 : i32
        %dma_wait3A_71 = tpu.memref_slice %arg4[%select_n3A, %select_n3A_51, %dma_wait3A_70] : memref<25x8192x128xf32, #tpu.memory_space<hbm>> -> memref<1x128x32xf32, #tpu.memory_space<hbm>>
        %dma_wait3A_72 = tpu.memref_squeeze %dma_wait3A_71 : memref<1x128x32xf32, #tpu.memory_space<hbm>> -> memref<128x32xf32, #tpu.memory_space<hbm>>
        %dma_wait3A_73 = arith.constant 0 : i32
        %dma_wait3A_74 = arith.constant 0 : i32
        %dma_wait3A_75 = tpu.memref_slice %arg6[%dma_wait3A_73, %dma_wait3A_74] : memref<128x128xf32, #tpu.memory_space<vmem>> -> memref<128x32xf32, #tpu.memory_space<vmem>>
        tpu.wait_dma2 semaphore(%run_scoped3A : memref<!tpu.dma_semaphore, #tpu.memory_space<semaphore_mem>>) src(%dma_wait3A_75 : memref<128x32xf32, #tpu.memory_space<vmem>>) dst(%dma_wait3A_72 : memref<128x32xf32, #tpu.memory_space<hbm>>)
        tpu.yield
      }) : () -> ()
    }
    %scan3A_7 = arith.constant 50 : i32
    return
  }
}

#map = affine_map<(d0, d1) -> (0, 0, 0)>
#map1 = affine_map<(d0, d1) -> (0, 0, 0, 0)>
#map2 = affine_map<(d0, d1) -> (0, 0)>
module attributes {stable_mosaic.version = 14 : i64} {
  func.func @sc_scatter_pos(%arg0: i32, %arg1: i32, %arg2: memref<32x50x128xi32, #tpu.memory_space<hbm>>, %arg3: memref<32x50x128x16xi32, #tpu.memory_space<hbm>>, %arg4: memref<1000000x16xi32, #tpu.memory_space<hbm>>, %arg5: memref<50x128xi32, #tpu.memory_space<vmem>>, %arg6: memref<10x128x16xi32, #tpu.memory_space<vmem>>, %arg7: memref<!tpu.dma_semaphore, #tpu.memory_space<semaphore_mem>>) attributes {dimension_semantics = [#tpu.dimension_semantics<core_parallel>, #tpu.dimension_semantics<subcore_parallel>], iteration_bounds = array<i64: 2, 16>, scalar_prefetch = 0 : i64, scratch_operands = 3 : i64, tpu.core_type = #tpu.core_type<sc_vector_subcore>, window_params = [{transform_indices = #map}, {transform_indices = #map1}, {transform_indices = #map2}]} {
    %mul3A = arith.constant 2 : i32
    %mul3A_0 = arith.muli %arg1, %mul3A : i32
    %add3A = arith.addi %mul3A_0, %arg0 : i32
    "tpu.region"() ({
      %run_scoped3A = tpu.sem_alloc : memref<!tpu.dma_semaphore, #tpu.memory_space<semaphore_mem>>
      %dma_start3A = arith.constant 0 : i32
      %dma_start3A_6 = arith.constant 0 : i32
      %dma_start3A_7 = tpu.memref_slice %arg2[%add3A, %dma_start3A, %dma_start3A_6] : memref<32x50x128xi32, #tpu.memory_space<hbm>> -> memref<1x50x128xi32, #tpu.memory_space<hbm>>
      %dma_start3A_8 = tpu.memref_squeeze %dma_start3A_7 : memref<1x50x128xi32, #tpu.memory_space<hbm>> -> memref<50x128xi32, #tpu.memory_space<hbm>>
      %dma_start3A_9 = arith.constant 0 : i32
      %dma_start3A_10 = arith.constant 0 : i32
      %dma_start3A_11 = tpu.memref_slice %arg2[%add3A, %dma_start3A_9, %dma_start3A_10] : memref<32x50x128xi32, #tpu.memory_space<hbm>> -> memref<1x50x128xi32, #tpu.memory_space<hbm>>
      %dma_start3A_12 = tpu.memref_squeeze %dma_start3A_11 : memref<1x50x128xi32, #tpu.memory_space<hbm>> -> memref<50x128xi32, #tpu.memory_space<hbm>>
      tpu.enqueue_dma source(%dma_start3A_12 : memref<50x128xi32, #tpu.memory_space<hbm>>) target(%arg5 : memref<50x128xi32, #tpu.memory_space<vmem>>) target_semaphore(%run_scoped3A : memref<!tpu.dma_semaphore, #tpu.memory_space<semaphore_mem>>)
      %dma_wait3A = arith.constant 0 : i32
      %dma_wait3A_13 = arith.constant 0 : i32
      %dma_wait3A_14 = tpu.memref_slice %arg2[%add3A, %dma_wait3A, %dma_wait3A_13] : memref<32x50x128xi32, #tpu.memory_space<hbm>> -> memref<1x50x128xi32, #tpu.memory_space<hbm>>
      %dma_wait3A_15 = tpu.memref_squeeze %dma_wait3A_14 : memref<1x50x128xi32, #tpu.memory_space<hbm>> -> memref<50x128xi32, #tpu.memory_space<hbm>>
      %dma_wait3A_16 = arith.constant 0 : i32
      %dma_wait3A_17 = arith.constant 0 : i32
      %dma_wait3A_18 = tpu.memref_slice %arg2[%add3A, %dma_wait3A_16, %dma_wait3A_17] : memref<32x50x128xi32, #tpu.memory_space<hbm>> -> memref<1x50x128xi32, #tpu.memory_space<hbm>>
      %dma_wait3A_19 = tpu.memref_squeeze %dma_wait3A_18 : memref<1x50x128xi32, #tpu.memory_space<hbm>> -> memref<50x128xi32, #tpu.memory_space<hbm>>
      tpu.wait_dma2 semaphore(%run_scoped3A : memref<!tpu.dma_semaphore, #tpu.memory_space<semaphore_mem>>) src(%dma_wait3A_19 : memref<50x128xi32, #tpu.memory_space<hbm>>) dst(%arg5 : memref<50x128xi32, #tpu.memory_space<vmem>>)
      tpu.yield
    }) : () -> ()
    %scan3A = arith.constant 0 : i32
    %scan3A_1 = arith.constant 0 : i32
    %scan3A_2 = arith.constant 5 : i32
    %scan3A_3 = arith.addi %scan3A_1, %scan3A_2 : i32
    %scan3A_4 = arith.constant 1 : i32
    scf.for %scan3A_6 = %scan3A_1 to %scan3A_3 step %scan3A_4  : i32 {
      %mul3A_7 = arith.constant 10 : i32
      %mul3A_8 = arith.muli %scan3A_6, %mul3A_7 : i32
      "tpu.region"() ({
        %run_scoped3A = tpu.sem_alloc : memref<!tpu.dma_semaphore, #tpu.memory_space<semaphore_mem>>
        %dma_start3A_307 = arith.constant 0 : i32
        %dma_start3A_308 = arith.constant 0 : i32
        %dma_start3A_309 = tpu.memref_slice %arg3[%add3A, %mul3A_8, %dma_start3A_307, %dma_start3A_308] : memref<32x50x128x16xi32, #tpu.memory_space<hbm>> -> memref<1x10x128x16xi32, #tpu.memory_space<hbm>>
        %dma_start3A_310 = tpu.memref_squeeze %dma_start3A_309 : memref<1x10x128x16xi32, #tpu.memory_space<hbm>> -> memref<10x128x16xi32, #tpu.memory_space<hbm>>
        %dma_start3A_311 = arith.constant 0 : i32
        %dma_start3A_312 = arith.constant 0 : i32
        %dma_start3A_313 = tpu.memref_slice %arg3[%add3A, %mul3A_8, %dma_start3A_311, %dma_start3A_312] : memref<32x50x128x16xi32, #tpu.memory_space<hbm>> -> memref<1x10x128x16xi32, #tpu.memory_space<hbm>>
        %dma_start3A_314 = tpu.memref_squeeze %dma_start3A_313 : memref<1x10x128x16xi32, #tpu.memory_space<hbm>> -> memref<10x128x16xi32, #tpu.memory_space<hbm>>
        tpu.enqueue_dma source(%dma_start3A_314 : memref<10x128x16xi32, #tpu.memory_space<hbm>>) target(%arg6 : memref<10x128x16xi32, #tpu.memory_space<vmem>>) target_semaphore(%run_scoped3A : memref<!tpu.dma_semaphore, #tpu.memory_space<semaphore_mem>>)
        %dma_wait3A_315 = arith.constant 0 : i32
        %dma_wait3A_316 = arith.constant 0 : i32
        %dma_wait3A_317 = tpu.memref_slice %arg3[%add3A, %mul3A_8, %dma_wait3A_315, %dma_wait3A_316] : memref<32x50x128x16xi32, #tpu.memory_space<hbm>> -> memref<1x10x128x16xi32, #tpu.memory_space<hbm>>
        %dma_wait3A_318 = tpu.memref_squeeze %dma_wait3A_317 : memref<1x10x128x16xi32, #tpu.memory_space<hbm>> -> memref<10x128x16xi32, #tpu.memory_space<hbm>>
        %dma_wait3A_319 = arith.constant 0 : i32
        %dma_wait3A_320 = arith.constant 0 : i32
        %dma_wait3A_321 = tpu.memref_slice %arg3[%add3A, %mul3A_8, %dma_wait3A_319, %dma_wait3A_320] : memref<32x50x128x16xi32, #tpu.memory_space<hbm>> -> memref<1x10x128x16xi32, #tpu.memory_space<hbm>>
        %dma_wait3A_322 = tpu.memref_squeeze %dma_wait3A_321 : memref<1x10x128x16xi32, #tpu.memory_space<hbm>> -> memref<10x128x16xi32, #tpu.memory_space<hbm>>
        tpu.wait_dma2 semaphore(%run_scoped3A : memref<!tpu.dma_semaphore, #tpu.memory_space<semaphore_mem>>) src(%dma_wait3A_322 : memref<10x128x16xi32, #tpu.memory_space<hbm>>) dst(%arg6 : memref<10x128x16xi32, #tpu.memory_space<vmem>>)
        tpu.yield
      }) : () -> ()
      %mul3A_9 = arith.constant 10 : i32
      %mul3A_10 = arith.muli %scan3A_6, %mul3A_9 : i32
      %add3A_11 = arith.constant 0 : i32
      %add3A_12 = arith.addi %mul3A_10, %add3A_11 : i32
      %dma_start3A = arith.constant 0 : i32
      %dma_start3A_13 = arith.constant 0 : i32
      %dma_start3A_14 = arith.constant 0 : i32
      %dma_start3A_15 = tpu.memref_slice %arg6[%dma_start3A, %dma_start3A_13, %dma_start3A_14] : memref<10x128x16xi32, #tpu.memory_space<vmem>> -> memref<1x128x16xi32, #tpu.memory_space<vmem>>
      %dma_start3A_16 = tpu.memref_squeeze %dma_start3A_15 : memref<1x128x16xi32, #tpu.memory_space<vmem>> -> memref<128x16xi32, #tpu.memory_space<vmem>>
      %dma_start3A_17 = arith.constant 0 : i32
      %dma_start3A_18 = tpu.memref_slice %arg5[%add3A_12, %dma_start3A_17] : memref<50x128xi32, #tpu.memory_space<vmem>> -> memref<1x128xi32, #tpu.memory_space<vmem>>
      %dma_start3A_19 = tpu.memref_squeeze %dma_start3A_18 : memref<1x128xi32, #tpu.memory_space<vmem>> -> memref<128xi32, #tpu.memory_space<vmem>>
      %dma_start3A_20 = arith.constant 0 : i32
      %dma_start3A_21 = arith.constant 0 : i32
      %dma_start3A_22 = tpu.memref_slice %arg4[%dma_start3A_20, %dma_start3A_21] : memref<1000000x16xi32, #tpu.memory_space<hbm>> -> memref<1000000x16xi32, #tpu.memory_space<hbm>>
      tpu.enqueue_indirect_dma source(%dma_start3A_16 : memref<128x16xi32, #tpu.memory_space<vmem>>) target(%dma_start3A_22 : memref<1000000x16xi32, #tpu.memory_space<hbm>>) offsets(%dma_start3A_19 : memref<128xi32, #tpu.memory_space<vmem>>) semaphore(%arg7 : memref<!tpu.dma_semaphore, #tpu.memory_space<semaphore_mem>>)
      %mul3A_23 = arith.constant 10 : i32
      %mul3A_24 = arith.muli %scan3A_6, %mul3A_23 : i32
      %add3A_25 = arith.constant 1 : i32
      %add3A_26 = arith.addi %mul3A_24, %add3A_25 : i32
      %dma_start3A_27 = arith.constant 1 : i32
      %dma_start3A_28 = arith.constant 0 : i32
      %dma_start3A_29 = arith.constant 0 : i32
      %dma_start3A_30 = tpu.memref_slice %arg6[%dma_start3A_27, %dma_start3A_28, %dma_start3A_29] : memref<10x128x16xi32, #tpu.memory_space<vmem>> -> memref<1x128x16xi32, #tpu.memory_space<vmem>>
      %dma_start3A_31 = tpu.memref_squeeze %dma_start3A_30 : memref<1x128x16xi32, #tpu.memory_space<vmem>> -> memref<128x16xi32, #tpu.memory_space<vmem>>
      %dma_start3A_32 = arith.constant 0 : i32
      %dma_start3A_33 = tpu.memref_slice %arg5[%add3A_26, %dma_start3A_32] : memref<50x128xi32, #tpu.memory_space<vmem>> -> memref<1x128xi32, #tpu.memory_space<vmem>>
      %dma_start3A_34 = tpu.memref_squeeze %dma_start3A_33 : memref<1x128xi32, #tpu.memory_space<vmem>> -> memref<128xi32, #tpu.memory_space<vmem>>
      %dma_start3A_35 = arith.constant 0 : i32
      %dma_start3A_36 = arith.constant 0 : i32
      %dma_start3A_37 = tpu.memref_slice %arg4[%dma_start3A_35, %dma_start3A_36] : memref<1000000x16xi32, #tpu.memory_space<hbm>> -> memref<1000000x16xi32, #tpu.memory_space<hbm>>
      tpu.enqueue_indirect_dma source(%dma_start3A_31 : memref<128x16xi32, #tpu.memory_space<vmem>>) target(%dma_start3A_37 : memref<1000000x16xi32, #tpu.memory_space<hbm>>) offsets(%dma_start3A_34 : memref<128xi32, #tpu.memory_space<vmem>>) semaphore(%arg7 : memref<!tpu.dma_semaphore, #tpu.memory_space<semaphore_mem>>)
      %mul3A_38 = arith.constant 10 : i32
      %mul3A_39 = arith.muli %scan3A_6, %mul3A_38 : i32
      %add3A_40 = arith.constant 2 : i32
      %add3A_41 = arith.addi %mul3A_39, %add3A_40 : i32
      %dma_start3A_42 = arith.constant 2 : i32
      %dma_start3A_43 = arith.constant 0 : i32
      %dma_start3A_44 = arith.constant 0 : i32
      %dma_start3A_45 = tpu.memref_slice %arg6[%dma_start3A_42, %dma_start3A_43, %dma_start3A_44] : memref<10x128x16xi32, #tpu.memory_space<vmem>> -> memref<1x128x16xi32, #tpu.memory_space<vmem>>
      %dma_start3A_46 = tpu.memref_squeeze %dma_start3A_45 : memref<1x128x16xi32, #tpu.memory_space<vmem>> -> memref<128x16xi32, #tpu.memory_space<vmem>>
      %dma_start3A_47 = arith.constant 0 : i32
      %dma_start3A_48 = tpu.memref_slice %arg5[%add3A_41, %dma_start3A_47] : memref<50x128xi32, #tpu.memory_space<vmem>> -> memref<1x128xi32, #tpu.memory_space<vmem>>
      %dma_start3A_49 = tpu.memref_squeeze %dma_start3A_48 : memref<1x128xi32, #tpu.memory_space<vmem>> -> memref<128xi32, #tpu.memory_space<vmem>>
      %dma_start3A_50 = arith.constant 0 : i32
      %dma_start3A_51 = arith.constant 0 : i32
      %dma_start3A_52 = tpu.memref_slice %arg4[%dma_start3A_50, %dma_start3A_51] : memref<1000000x16xi32, #tpu.memory_space<hbm>> -> memref<1000000x16xi32, #tpu.memory_space<hbm>>
      tpu.enqueue_indirect_dma source(%dma_start3A_46 : memref<128x16xi32, #tpu.memory_space<vmem>>) target(%dma_start3A_52 : memref<1000000x16xi32, #tpu.memory_space<hbm>>) offsets(%dma_start3A_49 : memref<128xi32, #tpu.memory_space<vmem>>) semaphore(%arg7 : memref<!tpu.dma_semaphore, #tpu.memory_space<semaphore_mem>>)
      %mul3A_53 = arith.constant 10 : i32
      %mul3A_54 = arith.muli %scan3A_6, %mul3A_53 : i32
      %add3A_55 = arith.constant 3 : i32
      %add3A_56 = arith.addi %mul3A_54, %add3A_55 : i32
      %dma_start3A_57 = arith.constant 3 : i32
      %dma_start3A_58 = arith.constant 0 : i32
      %dma_start3A_59 = arith.constant 0 : i32
      %dma_start3A_60 = tpu.memref_slice %arg6[%dma_start3A_57, %dma_start3A_58, %dma_start3A_59] : memref<10x128x16xi32, #tpu.memory_space<vmem>> -> memref<1x128x16xi32, #tpu.memory_space<vmem>>
      %dma_start3A_61 = tpu.memref_squeeze %dma_start3A_60 : memref<1x128x16xi32, #tpu.memory_space<vmem>> -> memref<128x16xi32, #tpu.memory_space<vmem>>
      %dma_start3A_62 = arith.constant 0 : i32
      %dma_start3A_63 = tpu.memref_slice %arg5[%add3A_56, %dma_start3A_62] : memref<50x128xi32, #tpu.memory_space<vmem>> -> memref<1x128xi32, #tpu.memory_space<vmem>>
      %dma_start3A_64 = tpu.memref_squeeze %dma_start3A_63 : memref<1x128xi32, #tpu.memory_space<vmem>> -> memref<128xi32, #tpu.memory_space<vmem>>
      %dma_start3A_65 = arith.constant 0 : i32
      %dma_start3A_66 = arith.constant 0 : i32
      %dma_start3A_67 = tpu.memref_slice %arg4[%dma_start3A_65, %dma_start3A_66] : memref<1000000x16xi32, #tpu.memory_space<hbm>> -> memref<1000000x16xi32, #tpu.memory_space<hbm>>
      tpu.enqueue_indirect_dma source(%dma_start3A_61 : memref<128x16xi32, #tpu.memory_space<vmem>>) target(%dma_start3A_67 : memref<1000000x16xi32, #tpu.memory_space<hbm>>) offsets(%dma_start3A_64 : memref<128xi32, #tpu.memory_space<vmem>>) semaphore(%arg7 : memref<!tpu.dma_semaphore, #tpu.memory_space<semaphore_mem>>)
      %mul3A_68 = arith.constant 10 : i32
      %mul3A_69 = arith.muli %scan3A_6, %mul3A_68 : i32
      %add3A_70 = arith.constant 4 : i32
      %add3A_71 = arith.addi %mul3A_69, %add3A_70 : i32
      %dma_start3A_72 = arith.constant 4 : i32
      %dma_start3A_73 = arith.constant 0 : i32
      %dma_start3A_74 = arith.constant 0 : i32
      %dma_start3A_75 = tpu.memref_slice %arg6[%dma_start3A_72, %dma_start3A_73, %dma_start3A_74] : memref<10x128x16xi32, #tpu.memory_space<vmem>> -> memref<1x128x16xi32, #tpu.memory_space<vmem>>
      %dma_start3A_76 = tpu.memref_squeeze %dma_start3A_75 : memref<1x128x16xi32, #tpu.memory_space<vmem>> -> memref<128x16xi32, #tpu.memory_space<vmem>>
      %dma_start3A_77 = arith.constant 0 : i32
      %dma_start3A_78 = tpu.memref_slice %arg5[%add3A_71, %dma_start3A_77] : memref<50x128xi32, #tpu.memory_space<vmem>> -> memref<1x128xi32, #tpu.memory_space<vmem>>
      %dma_start3A_79 = tpu.memref_squeeze %dma_start3A_78 : memref<1x128xi32, #tpu.memory_space<vmem>> -> memref<128xi32, #tpu.memory_space<vmem>>
      %dma_start3A_80 = arith.constant 0 : i32
      %dma_start3A_81 = arith.constant 0 : i32
      %dma_start3A_82 = tpu.memref_slice %arg4[%dma_start3A_80, %dma_start3A_81] : memref<1000000x16xi32, #tpu.memory_space<hbm>> -> memref<1000000x16xi32, #tpu.memory_space<hbm>>
      tpu.enqueue_indirect_dma source(%dma_start3A_76 : memref<128x16xi32, #tpu.memory_space<vmem>>) target(%dma_start3A_82 : memref<1000000x16xi32, #tpu.memory_space<hbm>>) offsets(%dma_start3A_79 : memref<128xi32, #tpu.memory_space<vmem>>) semaphore(%arg7 : memref<!tpu.dma_semaphore, #tpu.memory_space<semaphore_mem>>)
      %mul3A_83 = arith.constant 10 : i32
      %mul3A_84 = arith.muli %scan3A_6, %mul3A_83 : i32
      %add3A_85 = arith.constant 5 : i32
      %add3A_86 = arith.addi %mul3A_84, %add3A_85 : i32
      %dma_start3A_87 = arith.constant 5 : i32
      %dma_start3A_88 = arith.constant 0 : i32
      %dma_start3A_89 = arith.constant 0 : i32
      %dma_start3A_90 = tpu.memref_slice %arg6[%dma_start3A_87, %dma_start3A_88, %dma_start3A_89] : memref<10x128x16xi32, #tpu.memory_space<vmem>> -> memref<1x128x16xi32, #tpu.memory_space<vmem>>
      %dma_start3A_91 = tpu.memref_squeeze %dma_start3A_90 : memref<1x128x16xi32, #tpu.memory_space<vmem>> -> memref<128x16xi32, #tpu.memory_space<vmem>>
      %dma_start3A_92 = arith.constant 0 : i32
      %dma_start3A_93 = tpu.memref_slice %arg5[%add3A_86, %dma_start3A_92] : memref<50x128xi32, #tpu.memory_space<vmem>> -> memref<1x128xi32, #tpu.memory_space<vmem>>
      %dma_start3A_94 = tpu.memref_squeeze %dma_start3A_93 : memref<1x128xi32, #tpu.memory_space<vmem>> -> memref<128xi32, #tpu.memory_space<vmem>>
      %dma_start3A_95 = arith.constant 0 : i32
      %dma_start3A_96 = arith.constant 0 : i32
      %dma_start3A_97 = tpu.memref_slice %arg4[%dma_start3A_95, %dma_start3A_96] : memref<1000000x16xi32, #tpu.memory_space<hbm>> -> memref<1000000x16xi32, #tpu.memory_space<hbm>>
      tpu.enqueue_indirect_dma source(%dma_start3A_91 : memref<128x16xi32, #tpu.memory_space<vmem>>) target(%dma_start3A_97 : memref<1000000x16xi32, #tpu.memory_space<hbm>>) offsets(%dma_start3A_94 : memref<128xi32, #tpu.memory_space<vmem>>) semaphore(%arg7 : memref<!tpu.dma_semaphore, #tpu.memory_space<semaphore_mem>>)
      %mul3A_98 = arith.constant 10 : i32
      %mul3A_99 = arith.muli %scan3A_6, %mul3A_98 : i32
      %add3A_100 = arith.constant 6 : i32
      %add3A_101 = arith.addi %mul3A_99, %add3A_100 : i32
      %dma_start3A_102 = arith.constant 6 : i32
      %dma_start3A_103 = arith.constant 0 : i32
      %dma_start3A_104 = arith.constant 0 : i32
      %dma_start3A_105 = tpu.memref_slice %arg6[%dma_start3A_102, %dma_start3A_103, %dma_start3A_104] : memref<10x128x16xi32, #tpu.memory_space<vmem>> -> memref<1x128x16xi32, #tpu.memory_space<vmem>>
      %dma_start3A_106 = tpu.memref_squeeze %dma_start3A_105 : memref<1x128x16xi32, #tpu.memory_space<vmem>> -> memref<128x16xi32, #tpu.memory_space<vmem>>
      %dma_start3A_107 = arith.constant 0 : i32
      %dma_start3A_108 = tpu.memref_slice %arg5[%add3A_101, %dma_start3A_107] : memref<50x128xi32, #tpu.memory_space<vmem>> -> memref<1x128xi32, #tpu.memory_space<vmem>>
      %dma_start3A_109 = tpu.memref_squeeze %dma_start3A_108 : memref<1x128xi32, #tpu.memory_space<vmem>> -> memref<128xi32, #tpu.memory_space<vmem>>
      %dma_start3A_110 = arith.constant 0 : i32
      %dma_start3A_111 = arith.constant 0 : i32
      %dma_start3A_112 = tpu.memref_slice %arg4[%dma_start3A_110, %dma_start3A_111] : memref<1000000x16xi32, #tpu.memory_space<hbm>> -> memref<1000000x16xi32, #tpu.memory_space<hbm>>
      tpu.enqueue_indirect_dma source(%dma_start3A_106 : memref<128x16xi32, #tpu.memory_space<vmem>>) target(%dma_start3A_112 : memref<1000000x16xi32, #tpu.memory_space<hbm>>) offsets(%dma_start3A_109 : memref<128xi32, #tpu.memory_space<vmem>>) semaphore(%arg7 : memref<!tpu.dma_semaphore, #tpu.memory_space<semaphore_mem>>)
      %mul3A_113 = arith.constant 10 : i32
      %mul3A_114 = arith.muli %scan3A_6, %mul3A_113 : i32
      %add3A_115 = arith.constant 7 : i32
      %add3A_116 = arith.addi %mul3A_114, %add3A_115 : i32
      %dma_start3A_117 = arith.constant 7 : i32
      %dma_start3A_118 = arith.constant 0 : i32
      %dma_start3A_119 = arith.constant 0 : i32
      %dma_start3A_120 = tpu.memref_slice %arg6[%dma_start3A_117, %dma_start3A_118, %dma_start3A_119] : memref<10x128x16xi32, #tpu.memory_space<vmem>> -> memref<1x128x16xi32, #tpu.memory_space<vmem>>
      %dma_start3A_121 = tpu.memref_squeeze %dma_start3A_120 : memref<1x128x16xi32, #tpu.memory_space<vmem>> -> memref<128x16xi32, #tpu.memory_space<vmem>>
      %dma_start3A_122 = arith.constant 0 : i32
      %dma_start3A_123 = tpu.memref_slice %arg5[%add3A_116, %dma_start3A_122] : memref<50x128xi32, #tpu.memory_space<vmem>> -> memref<1x128xi32, #tpu.memory_space<vmem>>
      %dma_start3A_124 = tpu.memref_squeeze %dma_start3A_123 : memref<1x128xi32, #tpu.memory_space<vmem>> -> memref<128xi32, #tpu.memory_space<vmem>>
      %dma_start3A_125 = arith.constant 0 : i32
      %dma_start3A_126 = arith.constant 0 : i32
      %dma_start3A_127 = tpu.memref_slice %arg4[%dma_start3A_125, %dma_start3A_126] : memref<1000000x16xi32, #tpu.memory_space<hbm>> -> memref<1000000x16xi32, #tpu.memory_space<hbm>>
      tpu.enqueue_indirect_dma source(%dma_start3A_121 : memref<128x16xi32, #tpu.memory_space<vmem>>) target(%dma_start3A_127 : memref<1000000x16xi32, #tpu.memory_space<hbm>>) offsets(%dma_start3A_124 : memref<128xi32, #tpu.memory_space<vmem>>) semaphore(%arg7 : memref<!tpu.dma_semaphore, #tpu.memory_space<semaphore_mem>>)
      %mul3A_128 = arith.constant 10 : i32
      %mul3A_129 = arith.muli %scan3A_6, %mul3A_128 : i32
      %add3A_130 = arith.constant 8 : i32
      %add3A_131 = arith.addi %mul3A_129, %add3A_130 : i32
      %dma_start3A_132 = arith.constant 8 : i32
      %dma_start3A_133 = arith.constant 0 : i32
      %dma_start3A_134 = arith.constant 0 : i32
      %dma_start3A_135 = tpu.memref_slice %arg6[%dma_start3A_132, %dma_start3A_133, %dma_start3A_134] : memref<10x128x16xi32, #tpu.memory_space<vmem>> -> memref<1x128x16xi32, #tpu.memory_space<vmem>>
      %dma_start3A_136 = tpu.memref_squeeze %dma_start3A_135 : memref<1x128x16xi32, #tpu.memory_space<vmem>> -> memref<128x16xi32, #tpu.memory_space<vmem>>
      %dma_start3A_137 = arith.constant 0 : i32
      %dma_start3A_138 = tpu.memref_slice %arg5[%add3A_131, %dma_start3A_137] : memref<50x128xi32, #tpu.memory_space<vmem>> -> memref<1x128xi32, #tpu.memory_space<vmem>>
      %dma_start3A_139 = tpu.memref_squeeze %dma_start3A_138 : memref<1x128xi32, #tpu.memory_space<vmem>> -> memref<128xi32, #tpu.memory_space<vmem>>
      %dma_start3A_140 = arith.constant 0 : i32
      %dma_start3A_141 = arith.constant 0 : i32
      %dma_start3A_142 = tpu.memref_slice %arg4[%dma_start3A_140, %dma_start3A_141] : memref<1000000x16xi32, #tpu.memory_space<hbm>> -> memref<1000000x16xi32, #tpu.memory_space<hbm>>
      tpu.enqueue_indirect_dma source(%dma_start3A_136 : memref<128x16xi32, #tpu.memory_space<vmem>>) target(%dma_start3A_142 : memref<1000000x16xi32, #tpu.memory_space<hbm>>) offsets(%dma_start3A_139 : memref<128xi32, #tpu.memory_space<vmem>>) semaphore(%arg7 : memref<!tpu.dma_semaphore, #tpu.memory_space<semaphore_mem>>)
      %mul3A_143 = arith.constant 10 : i32
      %mul3A_144 = arith.muli %scan3A_6, %mul3A_143 : i32
      %add3A_145 = arith.constant 9 : i32
      %add3A_146 = arith.addi %mul3A_144, %add3A_145 : i32
      %dma_start3A_147 = arith.constant 9 : i32
      %dma_start3A_148 = arith.constant 0 : i32
      %dma_start3A_149 = arith.constant 0 : i32
      %dma_start3A_150 = tpu.memref_slice %arg6[%dma_start3A_147, %dma_start3A_148, %dma_start3A_149] : memref<10x128x16xi32, #tpu.memory_space<vmem>> -> memref<1x128x16xi32, #tpu.memory_space<vmem>>
      %dma_start3A_151 = tpu.memref_squeeze %dma_start3A_150 : memref<1x128x16xi32, #tpu.memory_space<vmem>> -> memref<128x16xi32, #tpu.memory_space<vmem>>
      %dma_start3A_152 = arith.constant 0 : i32
      %dma_start3A_153 = tpu.memref_slice %arg5[%add3A_146, %dma_start3A_152] : memref<50x128xi32, #tpu.memory_space<vmem>> -> memref<1x128xi32, #tpu.memory_space<vmem>>
      %dma_start3A_154 = tpu.memref_squeeze %dma_start3A_153 : memref<1x128xi32, #tpu.memory_space<vmem>> -> memref<128xi32, #tpu.memory_space<vmem>>
      %dma_start3A_155 = arith.constant 0 : i32
      %dma_start3A_156 = arith.constant 0 : i32
      %dma_start3A_157 = tpu.memref_slice %arg4[%dma_start3A_155, %dma_start3A_156] : memref<1000000x16xi32, #tpu.memory_space<hbm>> -> memref<1000000x16xi32, #tpu.memory_space<hbm>>
      tpu.enqueue_indirect_dma source(%dma_start3A_151 : memref<128x16xi32, #tpu.memory_space<vmem>>) target(%dma_start3A_157 : memref<1000000x16xi32, #tpu.memory_space<hbm>>) offsets(%dma_start3A_154 : memref<128xi32, #tpu.memory_space<vmem>>) semaphore(%arg7 : memref<!tpu.dma_semaphore, #tpu.memory_space<semaphore_mem>>)
      %mul3A_158 = arith.constant 10 : i32
      %mul3A_159 = arith.muli %scan3A_6, %mul3A_158 : i32
      %add3A_160 = arith.constant 0 : i32
      %add3A_161 = arith.addi %mul3A_159, %add3A_160 : i32
      %dma_wait3A = arith.constant 0 : i32
      %dma_wait3A_162 = arith.constant 0 : i32
      %dma_wait3A_163 = arith.constant 0 : i32
      %dma_wait3A_164 = tpu.memref_slice %arg6[%dma_wait3A, %dma_wait3A_162, %dma_wait3A_163] : memref<10x128x16xi32, #tpu.memory_space<vmem>> -> memref<1x128x16xi32, #tpu.memory_space<vmem>>
      %dma_wait3A_165 = tpu.memref_squeeze %dma_wait3A_164 : memref<1x128x16xi32, #tpu.memory_space<vmem>> -> memref<128x16xi32, #tpu.memory_space<vmem>>
      %dma_wait3A_166 = arith.constant 0 : i32
      %dma_wait3A_167 = tpu.memref_slice %arg5[%add3A_161, %dma_wait3A_166] : memref<50x128xi32, #tpu.memory_space<vmem>> -> memref<1x128xi32, #tpu.memory_space<vmem>>
      %dma_wait3A_168 = tpu.memref_squeeze %dma_wait3A_167 : memref<1x128xi32, #tpu.memory_space<vmem>> -> memref<128xi32, #tpu.memory_space<vmem>>
      %dma_wait3A_169 = arith.constant 0 : i32
      %dma_wait3A_170 = arith.constant 0 : i32
      %dma_wait3A_171 = tpu.memref_slice %arg4[%dma_wait3A_169, %dma_wait3A_170] : memref<1000000x16xi32, #tpu.memory_space<hbm>> -> memref<1000000x16xi32, #tpu.memory_space<hbm>>
      tpu.wait_indirect_dma semaphore(%arg7 : memref<!tpu.dma_semaphore, #tpu.memory_space<semaphore_mem>>) src(%dma_wait3A_165 : memref<128x16xi32, #tpu.memory_space<vmem>>) dst(%dma_wait3A_171 : memref<1000000x16xi32, #tpu.memory_space<hbm>>)
      %mul3A_172 = arith.constant 10 : i32
      %mul3A_173 = arith.muli %scan3A_6, %mul3A_172 : i32
      %add3A_174 = arith.constant 1 : i32
      %add3A_175 = arith.addi %mul3A_173, %add3A_174 : i32
      %dma_wait3A_176 = arith.constant 1 : i32
      %dma_wait3A_177 = arith.constant 0 : i32
      %dma_wait3A_178 = arith.constant 0 : i32
      %dma_wait3A_179 = tpu.memref_slice %arg6[%dma_wait3A_176, %dma_wait3A_177, %dma_wait3A_178] : memref<10x128x16xi32, #tpu.memory_space<vmem>> -> memref<1x128x16xi32, #tpu.memory_space<vmem>>
      %dma_wait3A_180 = tpu.memref_squeeze %dma_wait3A_179 : memref<1x128x16xi32, #tpu.memory_space<vmem>> -> memref<128x16xi32, #tpu.memory_space<vmem>>
      %dma_wait3A_181 = arith.constant 0 : i32
      %dma_wait3A_182 = tpu.memref_slice %arg5[%add3A_175, %dma_wait3A_181] : memref<50x128xi32, #tpu.memory_space<vmem>> -> memref<1x128xi32, #tpu.memory_space<vmem>>
      %dma_wait3A_183 = tpu.memref_squeeze %dma_wait3A_182 : memref<1x128xi32, #tpu.memory_space<vmem>> -> memref<128xi32, #tpu.memory_space<vmem>>
      %dma_wait3A_184 = arith.constant 0 : i32
      %dma_wait3A_185 = arith.constant 0 : i32
      %dma_wait3A_186 = tpu.memref_slice %arg4[%dma_wait3A_184, %dma_wait3A_185] : memref<1000000x16xi32, #tpu.memory_space<hbm>> -> memref<1000000x16xi32, #tpu.memory_space<hbm>>
      tpu.wait_indirect_dma semaphore(%arg7 : memref<!tpu.dma_semaphore, #tpu.memory_space<semaphore_mem>>) src(%dma_wait3A_180 : memref<128x16xi32, #tpu.memory_space<vmem>>) dst(%dma_wait3A_186 : memref<1000000x16xi32, #tpu.memory_space<hbm>>)
      %mul3A_187 = arith.constant 10 : i32
      %mul3A_188 = arith.muli %scan3A_6, %mul3A_187 : i32
      %add3A_189 = arith.constant 2 : i32
      %add3A_190 = arith.addi %mul3A_188, %add3A_189 : i32
      %dma_wait3A_191 = arith.constant 2 : i32
      %dma_wait3A_192 = arith.constant 0 : i32
      %dma_wait3A_193 = arith.constant 0 : i32
      %dma_wait3A_194 = tpu.memref_slice %arg6[%dma_wait3A_191, %dma_wait3A_192, %dma_wait3A_193] : memref<10x128x16xi32, #tpu.memory_space<vmem>> -> memref<1x128x16xi32, #tpu.memory_space<vmem>>
      %dma_wait3A_195 = tpu.memref_squeeze %dma_wait3A_194 : memref<1x128x16xi32, #tpu.memory_space<vmem>> -> memref<128x16xi32, #tpu.memory_space<vmem>>
      %dma_wait3A_196 = arith.constant 0 : i32
      %dma_wait3A_197 = tpu.memref_slice %arg5[%add3A_190, %dma_wait3A_196] : memref<50x128xi32, #tpu.memory_space<vmem>> -> memref<1x128xi32, #tpu.memory_space<vmem>>
      %dma_wait3A_198 = tpu.memref_squeeze %dma_wait3A_197 : memref<1x128xi32, #tpu.memory_space<vmem>> -> memref<128xi32, #tpu.memory_space<vmem>>
      %dma_wait3A_199 = arith.constant 0 : i32
      %dma_wait3A_200 = arith.constant 0 : i32
      %dma_wait3A_201 = tpu.memref_slice %arg4[%dma_wait3A_199, %dma_wait3A_200] : memref<1000000x16xi32, #tpu.memory_space<hbm>> -> memref<1000000x16xi32, #tpu.memory_space<hbm>>
      tpu.wait_indirect_dma semaphore(%arg7 : memref<!tpu.dma_semaphore, #tpu.memory_space<semaphore_mem>>) src(%dma_wait3A_195 : memref<128x16xi32, #tpu.memory_space<vmem>>) dst(%dma_wait3A_201 : memref<1000000x16xi32, #tpu.memory_space<hbm>>)
      %mul3A_202 = arith.constant 10 : i32
      %mul3A_203 = arith.muli %scan3A_6, %mul3A_202 : i32
      %add3A_204 = arith.constant 3 : i32
      %add3A_205 = arith.addi %mul3A_203, %add3A_204 : i32
      %dma_wait3A_206 = arith.constant 3 : i32
      %dma_wait3A_207 = arith.constant 0 : i32
      %dma_wait3A_208 = arith.constant 0 : i32
      %dma_wait3A_209 = tpu.memref_slice %arg6[%dma_wait3A_206, %dma_wait3A_207, %dma_wait3A_208] : memref<10x128x16xi32, #tpu.memory_space<vmem>> -> memref<1x128x16xi32, #tpu.memory_space<vmem>>
      %dma_wait3A_210 = tpu.memref_squeeze %dma_wait3A_209 : memref<1x128x16xi32, #tpu.memory_space<vmem>> -> memref<128x16xi32, #tpu.memory_space<vmem>>
      %dma_wait3A_211 = arith.constant 0 : i32
      %dma_wait3A_212 = tpu.memref_slice %arg5[%add3A_205, %dma_wait3A_211] : memref<50x128xi32, #tpu.memory_space<vmem>> -> memref<1x128xi32, #tpu.memory_space<vmem>>
      %dma_wait3A_213 = tpu.memref_squeeze %dma_wait3A_212 : memref<1x128xi32, #tpu.memory_space<vmem>> -> memref<128xi32, #tpu.memory_space<vmem>>
      %dma_wait3A_214 = arith.constant 0 : i32
      %dma_wait3A_215 = arith.constant 0 : i32
      %dma_wait3A_216 = tpu.memref_slice %arg4[%dma_wait3A_214, %dma_wait3A_215] : memref<1000000x16xi32, #tpu.memory_space<hbm>> -> memref<1000000x16xi32, #tpu.memory_space<hbm>>
      tpu.wait_indirect_dma semaphore(%arg7 : memref<!tpu.dma_semaphore, #tpu.memory_space<semaphore_mem>>) src(%dma_wait3A_210 : memref<128x16xi32, #tpu.memory_space<vmem>>) dst(%dma_wait3A_216 : memref<1000000x16xi32, #tpu.memory_space<hbm>>)
      %mul3A_217 = arith.constant 10 : i32
      %mul3A_218 = arith.muli %scan3A_6, %mul3A_217 : i32
      %add3A_219 = arith.constant 4 : i32
      %add3A_220 = arith.addi %mul3A_218, %add3A_219 : i32
      %dma_wait3A_221 = arith.constant 4 : i32
      %dma_wait3A_222 = arith.constant 0 : i32
      %dma_wait3A_223 = arith.constant 0 : i32
      %dma_wait3A_224 = tpu.memref_slice %arg6[%dma_wait3A_221, %dma_wait3A_222, %dma_wait3A_223] : memref<10x128x16xi32, #tpu.memory_space<vmem>> -> memref<1x128x16xi32, #tpu.memory_space<vmem>>
      %dma_wait3A_225 = tpu.memref_squeeze %dma_wait3A_224 : memref<1x128x16xi32, #tpu.memory_space<vmem>> -> memref<128x16xi32, #tpu.memory_space<vmem>>
      %dma_wait3A_226 = arith.constant 0 : i32
      %dma_wait3A_227 = tpu.memref_slice %arg5[%add3A_220, %dma_wait3A_226] : memref<50x128xi32, #tpu.memory_space<vmem>> -> memref<1x128xi32, #tpu.memory_space<vmem>>
      %dma_wait3A_228 = tpu.memref_squeeze %dma_wait3A_227 : memref<1x128xi32, #tpu.memory_space<vmem>> -> memref<128xi32, #tpu.memory_space<vmem>>
      %dma_wait3A_229 = arith.constant 0 : i32
      %dma_wait3A_230 = arith.constant 0 : i32
      %dma_wait3A_231 = tpu.memref_slice %arg4[%dma_wait3A_229, %dma_wait3A_230] : memref<1000000x16xi32, #tpu.memory_space<hbm>> -> memref<1000000x16xi32, #tpu.memory_space<hbm>>
      tpu.wait_indirect_dma semaphore(%arg7 : memref<!tpu.dma_semaphore, #tpu.memory_space<semaphore_mem>>) src(%dma_wait3A_225 : memref<128x16xi32, #tpu.memory_space<vmem>>) dst(%dma_wait3A_231 : memref<1000000x16xi32, #tpu.memory_space<hbm>>)
      %mul3A_232 = arith.constant 10 : i32
      %mul3A_233 = arith.muli %scan3A_6, %mul3A_232 : i32
      %add3A_234 = arith.constant 5 : i32
      %add3A_235 = arith.addi %mul3A_233, %add3A_234 : i32
      %dma_wait3A_236 = arith.constant 5 : i32
      %dma_wait3A_237 = arith.constant 0 : i32
      %dma_wait3A_238 = arith.constant 0 : i32
      %dma_wait3A_239 = tpu.memref_slice %arg6[%dma_wait3A_236, %dma_wait3A_237, %dma_wait3A_238] : memref<10x128x16xi32, #tpu.memory_space<vmem>> -> memref<1x128x16xi32, #tpu.memory_space<vmem>>
      %dma_wait3A_240 = tpu.memref_squeeze %dma_wait3A_239 : memref<1x128x16xi32, #tpu.memory_space<vmem>> -> memref<128x16xi32, #tpu.memory_space<vmem>>
      %dma_wait3A_241 = arith.constant 0 : i32
      %dma_wait3A_242 = tpu.memref_slice %arg5[%add3A_235, %dma_wait3A_241] : memref<50x128xi32, #tpu.memory_space<vmem>> -> memref<1x128xi32, #tpu.memory_space<vmem>>
      %dma_wait3A_243 = tpu.memref_squeeze %dma_wait3A_242 : memref<1x128xi32, #tpu.memory_space<vmem>> -> memref<128xi32, #tpu.memory_space<vmem>>
      %dma_wait3A_244 = arith.constant 0 : i32
      %dma_wait3A_245 = arith.constant 0 : i32
      %dma_wait3A_246 = tpu.memref_slice %arg4[%dma_wait3A_244, %dma_wait3A_245] : memref<1000000x16xi32, #tpu.memory_space<hbm>> -> memref<1000000x16xi32, #tpu.memory_space<hbm>>
      tpu.wait_indirect_dma semaphore(%arg7 : memref<!tpu.dma_semaphore, #tpu.memory_space<semaphore_mem>>) src(%dma_wait3A_240 : memref<128x16xi32, #tpu.memory_space<vmem>>) dst(%dma_wait3A_246 : memref<1000000x16xi32, #tpu.memory_space<hbm>>)
      %mul3A_247 = arith.constant 10 : i32
      %mul3A_248 = arith.muli %scan3A_6, %mul3A_247 : i32
      %add3A_249 = arith.constant 6 : i32
      %add3A_250 = arith.addi %mul3A_248, %add3A_249 : i32
      %dma_wait3A_251 = arith.constant 6 : i32
      %dma_wait3A_252 = arith.constant 0 : i32
      %dma_wait3A_253 = arith.constant 0 : i32
      %dma_wait3A_254 = tpu.memref_slice %arg6[%dma_wait3A_251, %dma_wait3A_252, %dma_wait3A_253] : memref<10x128x16xi32, #tpu.memory_space<vmem>> -> memref<1x128x16xi32, #tpu.memory_space<vmem>>
      %dma_wait3A_255 = tpu.memref_squeeze %dma_wait3A_254 : memref<1x128x16xi32, #tpu.memory_space<vmem>> -> memref<128x16xi32, #tpu.memory_space<vmem>>
      %dma_wait3A_256 = arith.constant 0 : i32
      %dma_wait3A_257 = tpu.memref_slice %arg5[%add3A_250, %dma_wait3A_256] : memref<50x128xi32, #tpu.memory_space<vmem>> -> memref<1x128xi32, #tpu.memory_space<vmem>>
      %dma_wait3A_258 = tpu.memref_squeeze %dma_wait3A_257 : memref<1x128xi32, #tpu.memory_space<vmem>> -> memref<128xi32, #tpu.memory_space<vmem>>
      %dma_wait3A_259 = arith.constant 0 : i32
      %dma_wait3A_260 = arith.constant 0 : i32
      %dma_wait3A_261 = tpu.memref_slice %arg4[%dma_wait3A_259, %dma_wait3A_260] : memref<1000000x16xi32, #tpu.memory_space<hbm>> -> memref<1000000x16xi32, #tpu.memory_space<hbm>>
      tpu.wait_indirect_dma semaphore(%arg7 : memref<!tpu.dma_semaphore, #tpu.memory_space<semaphore_mem>>) src(%dma_wait3A_255 : memref<128x16xi32, #tpu.memory_space<vmem>>) dst(%dma_wait3A_261 : memref<1000000x16xi32, #tpu.memory_space<hbm>>)
      %mul3A_262 = arith.constant 10 : i32
      %mul3A_263 = arith.muli %scan3A_6, %mul3A_262 : i32
      %add3A_264 = arith.constant 7 : i32
      %add3A_265 = arith.addi %mul3A_263, %add3A_264 : i32
      %dma_wait3A_266 = arith.constant 7 : i32
      %dma_wait3A_267 = arith.constant 0 : i32
      %dma_wait3A_268 = arith.constant 0 : i32
      %dma_wait3A_269 = tpu.memref_slice %arg6[%dma_wait3A_266, %dma_wait3A_267, %dma_wait3A_268] : memref<10x128x16xi32, #tpu.memory_space<vmem>> -> memref<1x128x16xi32, #tpu.memory_space<vmem>>
      %dma_wait3A_270 = tpu.memref_squeeze %dma_wait3A_269 : memref<1x128x16xi32, #tpu.memory_space<vmem>> -> memref<128x16xi32, #tpu.memory_space<vmem>>
      %dma_wait3A_271 = arith.constant 0 : i32
      %dma_wait3A_272 = tpu.memref_slice %arg5[%add3A_265, %dma_wait3A_271] : memref<50x128xi32, #tpu.memory_space<vmem>> -> memref<1x128xi32, #tpu.memory_space<vmem>>
      %dma_wait3A_273 = tpu.memref_squeeze %dma_wait3A_272 : memref<1x128xi32, #tpu.memory_space<vmem>> -> memref<128xi32, #tpu.memory_space<vmem>>
      %dma_wait3A_274 = arith.constant 0 : i32
      %dma_wait3A_275 = arith.constant 0 : i32
      %dma_wait3A_276 = tpu.memref_slice %arg4[%dma_wait3A_274, %dma_wait3A_275] : memref<1000000x16xi32, #tpu.memory_space<hbm>> -> memref<1000000x16xi32, #tpu.memory_space<hbm>>
      tpu.wait_indirect_dma semaphore(%arg7 : memref<!tpu.dma_semaphore, #tpu.memory_space<semaphore_mem>>) src(%dma_wait3A_270 : memref<128x16xi32, #tpu.memory_space<vmem>>) dst(%dma_wait3A_276 : memref<1000000x16xi32, #tpu.memory_space<hbm>>)
      %mul3A_277 = arith.constant 10 : i32
      %mul3A_278 = arith.muli %scan3A_6, %mul3A_277 : i32
      %add3A_279 = arith.constant 8 : i32
      %add3A_280 = arith.addi %mul3A_278, %add3A_279 : i32
      %dma_wait3A_281 = arith.constant 8 : i32
      %dma_wait3A_282 = arith.constant 0 : i32
      %dma_wait3A_283 = arith.constant 0 : i32
      %dma_wait3A_284 = tpu.memref_slice %arg6[%dma_wait3A_281, %dma_wait3A_282, %dma_wait3A_283] : memref<10x128x16xi32, #tpu.memory_space<vmem>> -> memref<1x128x16xi32, #tpu.memory_space<vmem>>
      %dma_wait3A_285 = tpu.memref_squeeze %dma_wait3A_284 : memref<1x128x16xi32, #tpu.memory_space<vmem>> -> memref<128x16xi32, #tpu.memory_space<vmem>>
      %dma_wait3A_286 = arith.constant 0 : i32
      %dma_wait3A_287 = tpu.memref_slice %arg5[%add3A_280, %dma_wait3A_286] : memref<50x128xi32, #tpu.memory_space<vmem>> -> memref<1x128xi32, #tpu.memory_space<vmem>>
      %dma_wait3A_288 = tpu.memref_squeeze %dma_wait3A_287 : memref<1x128xi32, #tpu.memory_space<vmem>> -> memref<128xi32, #tpu.memory_space<vmem>>
      %dma_wait3A_289 = arith.constant 0 : i32
      %dma_wait3A_290 = arith.constant 0 : i32
      %dma_wait3A_291 = tpu.memref_slice %arg4[%dma_wait3A_289, %dma_wait3A_290] : memref<1000000x16xi32, #tpu.memory_space<hbm>> -> memref<1000000x16xi32, #tpu.memory_space<hbm>>
      tpu.wait_indirect_dma semaphore(%arg7 : memref<!tpu.dma_semaphore, #tpu.memory_space<semaphore_mem>>) src(%dma_wait3A_285 : memref<128x16xi32, #tpu.memory_space<vmem>>) dst(%dma_wait3A_291 : memref<1000000x16xi32, #tpu.memory_space<hbm>>)
      %mul3A_292 = arith.constant 10 : i32
      %mul3A_293 = arith.muli %scan3A_6, %mul3A_292 : i32
      %add3A_294 = arith.constant 9 : i32
      %add3A_295 = arith.addi %mul3A_293, %add3A_294 : i32
      %dma_wait3A_296 = arith.constant 9 : i32
      %dma_wait3A_297 = arith.constant 0 : i32
      %dma_wait3A_298 = arith.constant 0 : i32
      %dma_wait3A_299 = tpu.memref_slice %arg6[%dma_wait3A_296, %dma_wait3A_297, %dma_wait3A_298] : memref<10x128x16xi32, #tpu.memory_space<vmem>> -> memref<1x128x16xi32, #tpu.memory_space<vmem>>
      %dma_wait3A_300 = tpu.memref_squeeze %dma_wait3A_299 : memref<1x128x16xi32, #tpu.memory_space<vmem>> -> memref<128x16xi32, #tpu.memory_space<vmem>>
      %dma_wait3A_301 = arith.constant 0 : i32
      %dma_wait3A_302 = tpu.memref_slice %arg5[%add3A_295, %dma_wait3A_301] : memref<50x128xi32, #tpu.memory_space<vmem>> -> memref<1x128xi32, #tpu.memory_space<vmem>>
      %dma_wait3A_303 = tpu.memref_squeeze %dma_wait3A_302 : memref<1x128xi32, #tpu.memory_space<vmem>> -> memref<128xi32, #tpu.memory_space<vmem>>
      %dma_wait3A_304 = arith.constant 0 : i32
      %dma_wait3A_305 = arith.constant 0 : i32
      %dma_wait3A_306 = tpu.memref_slice %arg4[%dma_wait3A_304, %dma_wait3A_305] : memref<1000000x16xi32, #tpu.memory_space<hbm>> -> memref<1000000x16xi32, #tpu.memory_space<hbm>>
      tpu.wait_indirect_dma semaphore(%arg7 : memref<!tpu.dma_semaphore, #tpu.memory_space<semaphore_mem>>) src(%dma_wait3A_300 : memref<128x16xi32, #tpu.memory_space<vmem>>) dst(%dma_wait3A_306 : memref<1000000x16xi32, #tpu.memory_space<hbm>>)
    }
    %scan3A_5 = arith.constant 5 : i32
    return
  }
}

#map = affine_map<(d0, d1) -> (0, 0, 0)>
#map1 = affine_map<(d0, d1) -> (0, 0)>
module attributes {stable_mosaic.version = 14 : i64} {
  func.func @sc_gather_one(%arg0: i32, %arg1: i32, %arg2: memref<32x50x128xi32, #tpu.memory_space<hbm>>, %arg3: memref<1000000x128xf32, #tpu.memory_space<hbm>>, %arg4: memref<25x8192x128xf32, #tpu.memory_space<hbm>>, %arg5: memref<50x128xi32, #tpu.memory_space<vmem>>, %arg6: memref<128x128xf32, #tpu.memory_space<vmem>>, %arg7: memref<!tpu.dma_semaphore, #tpu.memory_space<semaphore_mem>>) attributes {dimension_semantics = [#tpu.dimension_semantics<core_parallel>, #tpu.dimension_semantics<subcore_parallel>], iteration_bounds = array<i64: 2, 16>, scalar_prefetch = 0 : i64, scratch_operands = 3 : i64, tpu.core_type = #tpu.core_type<sc_vector_subcore>, window_params = [{transform_indices = #map}, {transform_indices = #map1}, {transform_indices = #map}]} {
    %mul3A = arith.constant 2 : i32
    %mul3A_0 = arith.muli %arg1, %mul3A : i32
    %add3A = arith.addi %mul3A_0, %arg0 : i32
    %mul3A_1 = arith.constant 50 : i32
    %mul3A_2 = arith.muli %add3A, %mul3A_1 : i32
    "tpu.region"() ({
      %run_scoped3A = tpu.sem_alloc : memref<!tpu.dma_semaphore, #tpu.memory_space<semaphore_mem>>
      %dma_start3A = arith.constant 0 : i32
      %dma_start3A_8 = arith.constant 0 : i32
      %dma_start3A_9 = tpu.memref_slice %arg2[%add3A, %dma_start3A, %dma_start3A_8] : memref<32x50x128xi32, #tpu.memory_space<hbm>> -> memref<1x50x128xi32, #tpu.memory_space<hbm>>
      %dma_start3A_10 = tpu.memref_squeeze %dma_start3A_9 : memref<1x50x128xi32, #tpu.memory_space<hbm>> -> memref<50x128xi32, #tpu.memory_space<hbm>>
      %dma_start3A_11 = arith.constant 0 : i32
      %dma_start3A_12 = arith.constant 0 : i32
      %dma_start3A_13 = tpu.memref_slice %arg2[%add3A, %dma_start3A_11, %dma_start3A_12] : memref<32x50x128xi32, #tpu.memory_space<hbm>> -> memref<1x50x128xi32, #tpu.memory_space<hbm>>
      %dma_start3A_14 = tpu.memref_squeeze %dma_start3A_13 : memref<1x50x128xi32, #tpu.memory_space<hbm>> -> memref<50x128xi32, #tpu.memory_space<hbm>>
      tpu.enqueue_dma source(%dma_start3A_14 : memref<50x128xi32, #tpu.memory_space<hbm>>) target(%arg5 : memref<50x128xi32, #tpu.memory_space<vmem>>) target_semaphore(%run_scoped3A : memref<!tpu.dma_semaphore, #tpu.memory_space<semaphore_mem>>)
      %dma_wait3A = arith.constant 0 : i32
      %dma_wait3A_15 = arith.constant 0 : i32
      %dma_wait3A_16 = tpu.memref_slice %arg2[%add3A, %dma_wait3A, %dma_wait3A_15] : memref<32x50x128xi32, #tpu.memory_space<hbm>> -> memref<1x50x128xi32, #tpu.memory_space<hbm>>
      %dma_wait3A_17 = tpu.memref_squeeze %dma_wait3A_16 : memref<1x50x128xi32, #tpu.memory_space<hbm>> -> memref<50x128xi32, #tpu.memory_space<hbm>>
      %dma_wait3A_18 = arith.constant 0 : i32
      %dma_wait3A_19 = arith.constant 0 : i32
      %dma_wait3A_20 = tpu.memref_slice %arg2[%add3A, %dma_wait3A_18, %dma_wait3A_19] : memref<32x50x128xi32, #tpu.memory_space<hbm>> -> memref<1x50x128xi32, #tpu.memory_space<hbm>>
      %dma_wait3A_21 = tpu.memref_squeeze %dma_wait3A_20 : memref<1x50x128xi32, #tpu.memory_space<hbm>> -> memref<50x128xi32, #tpu.memory_space<hbm>>
      tpu.wait_dma2 semaphore(%run_scoped3A : memref<!tpu.dma_semaphore, #tpu.memory_space<semaphore_mem>>) src(%dma_wait3A_21 : memref<50x128xi32, #tpu.memory_space<hbm>>) dst(%arg5 : memref<50x128xi32, #tpu.memory_space<vmem>>)
      tpu.yield
    }) : () -> ()
    %scan3A = arith.constant 0 : i32
    %scan3A_3 = arith.constant 0 : i32
    %scan3A_4 = arith.constant 50 : i32
    %scan3A_5 = arith.addi %scan3A_3, %scan3A_4 : i32
    %scan3A_6 = arith.constant 1 : i32
    scf.for %scan3A_8 = %scan3A_3 to %scan3A_5 step %scan3A_6  : i32 {
      %dma_start3A = arith.constant 0 : i32
      %dma_start3A_9 = tpu.memref_slice %arg5[%scan3A_8, %dma_start3A] : memref<50x128xi32, #tpu.memory_space<vmem>> -> memref<1x128xi32, #tpu.memory_space<vmem>>
      %dma_start3A_10 = tpu.memref_squeeze %dma_start3A_9 : memref<1x128xi32, #tpu.memory_space<vmem>> -> memref<128xi32, #tpu.memory_space<vmem>>
      %dma_start3A_11 = arith.constant 0 : i32
      %dma_start3A_12 = arith.constant 0 : i32
      %dma_start3A_13 = tpu.memref_slice %arg3[%dma_start3A_11, %dma_start3A_12] : memref<1000000x128xf32, #tpu.memory_space<hbm>> -> memref<1000000x128xf32, #tpu.memory_space<hbm>>
      tpu.enqueue_indirect_dma source(%dma_start3A_13 : memref<1000000x128xf32, #tpu.memory_space<hbm>>) target(%arg6 : memref<128x128xf32, #tpu.memory_space<vmem>>) offsets(%dma_start3A_10 : memref<128xi32, #tpu.memory_space<vmem>>) semaphore(%arg7 : memref<!tpu.dma_semaphore, #tpu.memory_space<semaphore_mem>>)
      %dma_wait3A = arith.constant 0 : i32
      %dma_wait3A_14 = tpu.memref_slice %arg5[%scan3A_8, %dma_wait3A] : memref<50x128xi32, #tpu.memory_space<vmem>> -> memref<1x128xi32, #tpu.memory_space<vmem>>
      %dma_wait3A_15 = tpu.memref_squeeze %dma_wait3A_14 : memref<1x128xi32, #tpu.memory_space<vmem>> -> memref<128xi32, #tpu.memory_space<vmem>>
      %dma_wait3A_16 = arith.constant 0 : i32
      %dma_wait3A_17 = arith.constant 0 : i32
      %dma_wait3A_18 = tpu.memref_slice %arg3[%dma_wait3A_16, %dma_wait3A_17] : memref<1000000x128xf32, #tpu.memory_space<hbm>> -> memref<1000000x128xf32, #tpu.memory_space<hbm>>
      tpu.wait_indirect_dma semaphore(%arg7 : memref<!tpu.dma_semaphore, #tpu.memory_space<semaphore_mem>>) src(%dma_wait3A_18 : memref<1000000x128xf32, #tpu.memory_space<hbm>>) dst(%arg6 : memref<128x128xf32, #tpu.memory_space<vmem>>)
      %add3A_19 = arith.addi %mul3A_2, %scan3A_8 : i32
      %mul3A_20 = arith.constant 128 : i32
      %mul3A_21 = arith.muli %add3A_19, %mul3A_20 : i32
      %jit3A = arith.constant 8192 : i32
      %div3A = arith.divsi %mul3A_21, %jit3A : i32
      %sign3A = arith.constant 0 : i32
      %sign3A_22 = arith.cmpi sgt, %mul3A_21, %sign3A : i32
      %sign3A_23 = arith.extui %sign3A_22 : i1 to i32
      %sign3A_24 = arith.constant 0 : i32
      %sign3A_25 = arith.cmpi slt, %mul3A_21, %sign3A_24 : i32
      %sign3A_26 = arith.extui %sign3A_25 : i1 to i32
      %sign3A_27 = arith.subi %sign3A_23, %sign3A_26 : i32
      %sign3A_28 = arith.constant 0 : i32
      %sign3A_29 = arith.cmpi sgt, %jit3A, %sign3A_28 : i32
      %sign3A_30 = arith.extui %sign3A_29 : i1 to i32
      %sign3A_31 = arith.constant 0 : i32
      %sign3A_32 = arith.cmpi slt, %jit3A, %sign3A_31 : i32
      %sign3A_33 = arith.extui %sign3A_32 : i1 to i32
      %sign3A_34 = arith.subi %sign3A_30, %sign3A_33 : i32
      %ne3A = arith.cmpi ne, %sign3A_27, %sign3A_34 : i32
      %rem3A = arith.remsi %mul3A_21, %jit3A : i32
      %ne3A_35 = arith.constant 0 : i32
      %ne3A_36 = arith.cmpi ne, %rem3A, %ne3A_35 : i32
      %and3A = arith.andi %ne3A, %ne3A_36 : i1
      %sub3A = arith.constant 1 : i32
      %sub3A_37 = arith.subi %div3A, %sub3A : i32
      %select_n3A = arith.select %and3A, %sub3A_37, %div3A : i32
      %jit3A_38 = arith.constant 8192 : i32
      %eq3A = arith.constant 0 : i32
      %eq3A_39 = arith.cmpi eq, %jit3A_38, %eq3A : i32
      %jit3A_40 = arith.constant 1 : i32
      %select_n3A_41 = arith.select %eq3A_39, %jit3A_40, %jit3A_38 : i32
      %rem3A_42 = arith.remsi %mul3A_21, %select_n3A_41 : i32
      %ne3A_43 = arith.constant 0 : i32
      %ne3A_44 = arith.cmpi ne, %rem3A_42, %ne3A_43 : i32
      %lt3A = arith.constant 0 : i32
      %lt3A_45 = arith.cmpi slt, %rem3A_42, %lt3A : i32
      %lt3A_46 = arith.constant 0 : i32
      %lt3A_47 = arith.cmpi slt, %select_n3A_41, %lt3A_46 : i32
      %ne3A_48 = arith.xori %lt3A_45, %lt3A_47 : i1
      %and3A_49 = arith.andi %ne3A_48, %ne3A_44 : i1
      %add3A_50 = arith.addi %rem3A_42, %select_n3A_41 : i32
      %select_n3A_51 = arith.select %and3A_49, %add3A_50, %rem3A_42 : i32
      "tpu.region"() ({
        %run_scoped3A = tpu.sem_alloc : memref<!tpu.dma_semaphore, #tpu.memory_space<semaphore_mem>>
        %dma_start3A_52 = arith.constant 0 : i32
        %dma_start3A_53 = arith.constant 0 : i32
        %dma_start3A_54 = tpu.memref_slice %arg6[%dma_start3A_52, %dma_start3A_53] : memref<128x128xf32, #tpu.memory_space<vmem>> -> memref<128x32xf32, #tpu.memory_space<vmem>>
        %dma_start3A_55 = arith.constant 0 : i32
        %dma_start3A_56 = tpu.memref_slice %arg4[%select_n3A, %select_n3A_51, %dma_start3A_55] : memref<25x8192x128xf32, #tpu.memory_space<hbm>> -> memref<1x128x32xf32, #tpu.memory_space<hbm>>
        %dma_start3A_57 = tpu.memref_squeeze %dma_start3A_56 : memref<1x128x32xf32, #tpu.memory_space<hbm>> -> memref<128x32xf32, #tpu.memory_space<hbm>>
        %dma_start3A_58 = arith.constant 0 : i32
        %dma_start3A_59 = tpu.memref_slice %arg4[%select_n3A, %select_n3A_51, %dma_start3A_58] : memref<25x8192x128xf32, #tpu.memory_space<hbm>> -> memref<1x128x32xf32, #tpu.memory_space<hbm>>
        %dma_start3A_60 = tpu.memref_squeeze %dma_start3A_59 : memref<1x128x32xf32, #tpu.memory_space<hbm>> -> memref<128x32xf32, #tpu.memory_space<hbm>>
        %dma_start3A_61 = arith.constant 0 : i32
        %dma_start3A_62 = arith.constant 0 : i32
        %dma_start3A_63 = tpu.memref_slice %arg6[%dma_start3A_61, %dma_start3A_62] : memref<128x128xf32, #tpu.memory_space<vmem>> -> memref<128x32xf32, #tpu.memory_space<vmem>>
        tpu.enqueue_dma source(%dma_start3A_63 : memref<128x32xf32, #tpu.memory_space<vmem>>) target(%dma_start3A_60 : memref<128x32xf32, #tpu.memory_space<hbm>>) target_semaphore(%run_scoped3A : memref<!tpu.dma_semaphore, #tpu.memory_space<semaphore_mem>>)
        %dma_wait3A_64 = arith.constant 0 : i32
        %dma_wait3A_65 = arith.constant 0 : i32
        %dma_wait3A_66 = tpu.memref_slice %arg6[%dma_wait3A_64, %dma_wait3A_65] : memref<128x128xf32, #tpu.memory_space<vmem>> -> memref<128x32xf32, #tpu.memory_space<vmem>>
        %dma_wait3A_67 = arith.constant 0 : i32
        %dma_wait3A_68 = tpu.memref_slice %arg4[%select_n3A, %select_n3A_51, %dma_wait3A_67] : memref<25x8192x128xf32, #tpu.memory_space<hbm>> -> memref<1x128x32xf32, #tpu.memory_space<hbm>>
        %dma_wait3A_69 = tpu.memref_squeeze %dma_wait3A_68 : memref<1x128x32xf32, #tpu.memory_space<hbm>> -> memref<128x32xf32, #tpu.memory_space<hbm>>
        %dma_wait3A_70 = arith.constant 0 : i32
        %dma_wait3A_71 = tpu.memref_slice %arg4[%select_n3A, %select_n3A_51, %dma_wait3A_70] : memref<25x8192x128xf32, #tpu.memory_space<hbm>> -> memref<1x128x32xf32, #tpu.memory_space<hbm>>
        %dma_wait3A_72 = tpu.memref_squeeze %dma_wait3A_71 : memref<1x128x32xf32, #tpu.memory_space<hbm>> -> memref<128x32xf32, #tpu.memory_space<hbm>>
        %dma_wait3A_73 = arith.constant 0 : i32
        %dma_wait3A_74 = arith.constant 0 : i32
        %dma_wait3A_75 = tpu.memref_slice %arg6[%dma_wait3A_73, %dma_wait3A_74] : memref<128x128xf32, #tpu.memory_space<vmem>> -> memref<128x32xf32, #tpu.memory_space<vmem>>
        tpu.wait_dma2 semaphore(%run_scoped3A : memref<!tpu.dma_semaphore, #tpu.memory_space<semaphore_mem>>) src(%dma_wait3A_75 : memref<128x32xf32, #tpu.memory_space<vmem>>) dst(%dma_wait3A_72 : memref<128x32xf32, #tpu.memory_space<hbm>>)
        tpu.yield
      }) : () -> ()
    }
    %scan3A_7 = arith.constant 50 : i32
    return
  }
}

#map = affine_map<(d0, d1) -> (0, 0, 0)>
#map1 = affine_map<(d0, d1) -> (0)>
#map2 = affine_map<(d0, d1) -> (0, 0)>
module attributes {stable_mosaic.version = 14 : i64} {
  func.func @sc_gather_it(%arg0: i32, %arg1: i32, %arg2: memref<32x50x128xi32, #tpu.memory_space<hbm>>, %arg3: memref<32x50x128xi32, #tpu.memory_space<hbm>>, %arg4: memref<16000000xi32, #tpu.memory_space<hbm>>, %arg5: memref<1000000x128xf32, #tpu.memory_space<hbm>>, %arg6: memref<25x8192x128xf32, #tpu.memory_space<hbm>>, %arg7: memref<204800xi32, #tpu.memory_space<hbm>>, %arg8: memref<50x128xi32, #tpu.memory_space<vmem>>, %arg9: memref<50x128xi32, #tpu.memory_space<vmem>>, %arg10: memref<128x128xf32, #tpu.memory_space<vmem>>, %arg11: memref<6400xi32, #tpu.memory_space<vmem>>, %arg12: memref<!tpu.dma_semaphore, #tpu.memory_space<semaphore_mem>>) attributes {dimension_semantics = [#tpu.dimension_semantics<core_parallel>, #tpu.dimension_semantics<subcore_parallel>], iteration_bounds = array<i64: 2, 16>, scalar_prefetch = 0 : i64, scratch_operands = 5 : i64, tpu.core_type = #tpu.core_type<sc_vector_subcore>, window_params = [{transform_indices = #map}, {transform_indices = #map}, {transform_indices = #map1}, {transform_indices = #map2}, {transform_indices = #map}, {transform_indices = #map1}]} {
    %mul3A = arith.constant 2 : i32
    %mul3A_0 = arith.muli %arg1, %mul3A : i32
    %add3A = arith.addi %mul3A_0, %arg0 : i32
    %mul3A_1 = arith.constant 50 : i32
    %mul3A_2 = arith.muli %add3A, %mul3A_1 : i32
    "tpu.region"() ({
      %run_scoped3A = tpu.sem_alloc : memref<!tpu.dma_semaphore, #tpu.memory_space<semaphore_mem>>
      %dma_start3A = arith.constant 0 : i32
      %dma_start3A_12 = arith.constant 0 : i32
      %dma_start3A_13 = tpu.memref_slice %arg2[%add3A, %dma_start3A, %dma_start3A_12] : memref<32x50x128xi32, #tpu.memory_space<hbm>> -> memref<1x50x128xi32, #tpu.memory_space<hbm>>
      %dma_start3A_14 = tpu.memref_squeeze %dma_start3A_13 : memref<1x50x128xi32, #tpu.memory_space<hbm>> -> memref<50x128xi32, #tpu.memory_space<hbm>>
      %dma_start3A_15 = arith.constant 0 : i32
      %dma_start3A_16 = arith.constant 0 : i32
      %dma_start3A_17 = tpu.memref_slice %arg2[%add3A, %dma_start3A_15, %dma_start3A_16] : memref<32x50x128xi32, #tpu.memory_space<hbm>> -> memref<1x50x128xi32, #tpu.memory_space<hbm>>
      %dma_start3A_18 = tpu.memref_squeeze %dma_start3A_17 : memref<1x50x128xi32, #tpu.memory_space<hbm>> -> memref<50x128xi32, #tpu.memory_space<hbm>>
      tpu.enqueue_dma source(%dma_start3A_18 : memref<50x128xi32, #tpu.memory_space<hbm>>) target(%arg8 : memref<50x128xi32, #tpu.memory_space<vmem>>) target_semaphore(%run_scoped3A : memref<!tpu.dma_semaphore, #tpu.memory_space<semaphore_mem>>)
      %dma_wait3A = arith.constant 0 : i32
      %dma_wait3A_19 = arith.constant 0 : i32
      %dma_wait3A_20 = tpu.memref_slice %arg2[%add3A, %dma_wait3A, %dma_wait3A_19] : memref<32x50x128xi32, #tpu.memory_space<hbm>> -> memref<1x50x128xi32, #tpu.memory_space<hbm>>
      %dma_wait3A_21 = tpu.memref_squeeze %dma_wait3A_20 : memref<1x50x128xi32, #tpu.memory_space<hbm>> -> memref<50x128xi32, #tpu.memory_space<hbm>>
      %dma_wait3A_22 = arith.constant 0 : i32
      %dma_wait3A_23 = arith.constant 0 : i32
      %dma_wait3A_24 = tpu.memref_slice %arg2[%add3A, %dma_wait3A_22, %dma_wait3A_23] : memref<32x50x128xi32, #tpu.memory_space<hbm>> -> memref<1x50x128xi32, #tpu.memory_space<hbm>>
      %dma_wait3A_25 = tpu.memref_squeeze %dma_wait3A_24 : memref<1x50x128xi32, #tpu.memory_space<hbm>> -> memref<50x128xi32, #tpu.memory_space<hbm>>
      tpu.wait_dma2 semaphore(%run_scoped3A : memref<!tpu.dma_semaphore, #tpu.memory_space<semaphore_mem>>) src(%dma_wait3A_25 : memref<50x128xi32, #tpu.memory_space<hbm>>) dst(%arg8 : memref<50x128xi32, #tpu.memory_space<vmem>>)
      tpu.yield
    }) : () -> ()
    "tpu.region"() ({
      %run_scoped3A = tpu.sem_alloc : memref<!tpu.dma_semaphore, #tpu.memory_space<semaphore_mem>>
      %dma_start3A = arith.constant 0 : i32
      %dma_start3A_12 = arith.constant 0 : i32
      %dma_start3A_13 = tpu.memref_slice %arg3[%add3A, %dma_start3A, %dma_start3A_12] : memref<32x50x128xi32, #tpu.memory_space<hbm>> -> memref<1x50x128xi32, #tpu.memory_space<hbm>>
      %dma_start3A_14 = tpu.memref_squeeze %dma_start3A_13 : memref<1x50x128xi32, #tpu.memory_space<hbm>> -> memref<50x128xi32, #tpu.memory_space<hbm>>
      %dma_start3A_15 = arith.constant 0 : i32
      %dma_start3A_16 = arith.constant 0 : i32
      %dma_start3A_17 = tpu.memref_slice %arg3[%add3A, %dma_start3A_15, %dma_start3A_16] : memref<32x50x128xi32, #tpu.memory_space<hbm>> -> memref<1x50x128xi32, #tpu.memory_space<hbm>>
      %dma_start3A_18 = tpu.memref_squeeze %dma_start3A_17 : memref<1x50x128xi32, #tpu.memory_space<hbm>> -> memref<50x128xi32, #tpu.memory_space<hbm>>
      tpu.enqueue_dma source(%dma_start3A_18 : memref<50x128xi32, #tpu.memory_space<hbm>>) target(%arg9 : memref<50x128xi32, #tpu.memory_space<vmem>>) target_semaphore(%run_scoped3A : memref<!tpu.dma_semaphore, #tpu.memory_space<semaphore_mem>>)
      %dma_wait3A = arith.constant 0 : i32
      %dma_wait3A_19 = arith.constant 0 : i32
      %dma_wait3A_20 = tpu.memref_slice %arg3[%add3A, %dma_wait3A, %dma_wait3A_19] : memref<32x50x128xi32, #tpu.memory_space<hbm>> -> memref<1x50x128xi32, #tpu.memory_space<hbm>>
      %dma_wait3A_21 = tpu.memref_squeeze %dma_wait3A_20 : memref<1x50x128xi32, #tpu.memory_space<hbm>> -> memref<50x128xi32, #tpu.memory_space<hbm>>
      %dma_wait3A_22 = arith.constant 0 : i32
      %dma_wait3A_23 = arith.constant 0 : i32
      %dma_wait3A_24 = tpu.memref_slice %arg3[%add3A, %dma_wait3A_22, %dma_wait3A_23] : memref<32x50x128xi32, #tpu.memory_space<hbm>> -> memref<1x50x128xi32, #tpu.memory_space<hbm>>
      %dma_wait3A_25 = tpu.memref_squeeze %dma_wait3A_24 : memref<1x50x128xi32, #tpu.memory_space<hbm>> -> memref<50x128xi32, #tpu.memory_space<hbm>>
      tpu.wait_dma2 semaphore(%run_scoped3A : memref<!tpu.dma_semaphore, #tpu.memory_space<semaphore_mem>>) src(%dma_wait3A_25 : memref<50x128xi32, #tpu.memory_space<hbm>>) dst(%arg9 : memref<50x128xi32, #tpu.memory_space<vmem>>)
      tpu.yield
    }) : () -> ()
    %scan3A = arith.constant 0 : i32
    %scan3A_3 = arith.constant 0 : i32
    %scan3A_4 = arith.constant 50 : i32
    %scan3A_5 = arith.addi %scan3A_3, %scan3A_4 : i32
    %scan3A_6 = arith.constant 1 : i32
    scf.for %scan3A_12 = %scan3A_3 to %scan3A_5 step %scan3A_6  : i32 {
      %dma_start3A = arith.constant 0 : i32
      %dma_start3A_13 = tpu.memref_slice %arg8[%scan3A_12, %dma_start3A] : memref<50x128xi32, #tpu.memory_space<vmem>> -> memref<1x128xi32, #tpu.memory_space<vmem>>
      %dma_start3A_14 = tpu.memref_squeeze %dma_start3A_13 : memref<1x128xi32, #tpu.memory_space<vmem>> -> memref<128xi32, #tpu.memory_space<vmem>>
      %dma_start3A_15 = arith.constant 0 : i32
      %dma_start3A_16 = arith.constant 0 : i32
      %dma_start3A_17 = tpu.memref_slice %arg5[%dma_start3A_15, %dma_start3A_16] : memref<1000000x128xf32, #tpu.memory_space<hbm>> -> memref<1000000x128xf32, #tpu.memory_space<hbm>>
      tpu.enqueue_indirect_dma source(%dma_start3A_17 : memref<1000000x128xf32, #tpu.memory_space<hbm>>) target(%arg10 : memref<128x128xf32, #tpu.memory_space<vmem>>) offsets(%dma_start3A_14 : memref<128xi32, #tpu.memory_space<vmem>>) semaphore(%arg12 : memref<!tpu.dma_semaphore, #tpu.memory_space<semaphore_mem>>)
      %mul3A_18 = arith.constant 128 : i32
      %mul3A_19 = arith.muli %scan3A_12, %mul3A_18 : i32
      %dma_start3A_20 = tpu.memref_slice %arg11[%mul3A_19] : memref<6400xi32, #tpu.memory_space<vmem>> -> memref<128xi32, #tpu.memory_space<vmem>>
      %dma_start3A_21 = arith.constant 0 : i32
      %dma_start3A_22 = tpu.memref_slice %arg9[%scan3A_12, %dma_start3A_21] : memref<50x128xi32, #tpu.memory_space<vmem>> -> memref<1x128xi32, #tpu.memory_space<vmem>>
      %dma_start3A_23 = tpu.memref_squeeze %dma_start3A_22 : memref<1x128xi32, #tpu.memory_space<vmem>> -> memref<128xi32, #tpu.memory_space<vmem>>
      %dma_start3A_24 = arith.constant 0 : i32
      %dma_start3A_25 = tpu.memref_slice %arg4[%dma_start3A_24] : memref<16000000xi32, #tpu.memory_space<hbm>> -> memref<16000000xi32, #tpu.memory_space<hbm>>
      tpu.enqueue_indirect_dma source(%dma_start3A_25 : memref<16000000xi32, #tpu.memory_space<hbm>>) target(%dma_start3A_20 : memref<128xi32, #tpu.memory_space<vmem>>) offsets(%dma_start3A_23 : memref<128xi32, #tpu.memory_space<vmem>>) semaphore(%arg12 : memref<!tpu.dma_semaphore, #tpu.memory_space<semaphore_mem>>)
      %dma_wait3A = arith.constant 0 : i32
      %dma_wait3A_26 = tpu.memref_slice %arg8[%scan3A_12, %dma_wait3A] : memref<50x128xi32, #tpu.memory_space<vmem>> -> memref<1x128xi32, #tpu.memory_space<vmem>>
      %dma_wait3A_27 = tpu.memref_squeeze %dma_wait3A_26 : memref<1x128xi32, #tpu.memory_space<vmem>> -> memref<128xi32, #tpu.memory_space<vmem>>
      %dma_wait3A_28 = arith.constant 0 : i32
      %dma_wait3A_29 = arith.constant 0 : i32
      %dma_wait3A_30 = tpu.memref_slice %arg5[%dma_wait3A_28, %dma_wait3A_29] : memref<1000000x128xf32, #tpu.memory_space<hbm>> -> memref<1000000x128xf32, #tpu.memory_space<hbm>>
      tpu.wait_indirect_dma semaphore(%arg12 : memref<!tpu.dma_semaphore, #tpu.memory_space<semaphore_mem>>) src(%dma_wait3A_30 : memref<1000000x128xf32, #tpu.memory_space<hbm>>) dst(%arg10 : memref<128x128xf32, #tpu.memory_space<vmem>>)
      %dma_wait3A_31 = tpu.memref_slice %arg11[%mul3A_19] : memref<6400xi32, #tpu.memory_space<vmem>> -> memref<128xi32, #tpu.memory_space<vmem>>
      %dma_wait3A_32 = arith.constant 0 : i32
      %dma_wait3A_33 = tpu.memref_slice %arg9[%scan3A_12, %dma_wait3A_32] : memref<50x128xi32, #tpu.memory_space<vmem>> -> memref<1x128xi32, #tpu.memory_space<vmem>>
      %dma_wait3A_34 = tpu.memref_squeeze %dma_wait3A_33 : memref<1x128xi32, #tpu.memory_space<vmem>> -> memref<128xi32, #tpu.memory_space<vmem>>
      %dma_wait3A_35 = arith.constant 0 : i32
      %dma_wait3A_36 = tpu.memref_slice %arg4[%dma_wait3A_35] : memref<16000000xi32, #tpu.memory_space<hbm>> -> memref<16000000xi32, #tpu.memory_space<hbm>>
      tpu.wait_indirect_dma semaphore(%arg12 : memref<!tpu.dma_semaphore, #tpu.memory_space<semaphore_mem>>) src(%dma_wait3A_36 : memref<16000000xi32, #tpu.memory_space<hbm>>) dst(%dma_wait3A_31 : memref<128xi32, #tpu.memory_space<vmem>>)
      %add3A_37 = arith.addi %mul3A_2, %scan3A_12 : i32
      %mul3A_38 = arith.constant 128 : i32
      %mul3A_39 = arith.muli %add3A_37, %mul3A_38 : i32
      %jit3A = arith.constant 8192 : i32
      %div3A = arith.divsi %mul3A_39, %jit3A : i32
      %sign3A = arith.constant 0 : i32
      %sign3A_40 = arith.cmpi sgt, %mul3A_39, %sign3A : i32
      %sign3A_41 = arith.extui %sign3A_40 : i1 to i32
      %sign3A_42 = arith.constant 0 : i32
      %sign3A_43 = arith.cmpi slt, %mul3A_39, %sign3A_42 : i32
      %sign3A_44 = arith.extui %sign3A_43 : i1 to i32
      %sign3A_45 = arith.subi %sign3A_41, %sign3A_44 : i32
      %sign3A_46 = arith.constant 0 : i32
      %sign3A_47 = arith.cmpi sgt, %jit3A, %sign3A_46 : i32
      %sign3A_48 = arith.extui %sign3A_47 : i1 to i32
      %sign3A_49 = arith.constant 0 : i32
      %sign3A_50 = arith.cmpi slt, %jit3A, %sign3A_49 : i32
      %sign3A_51 = arith.extui %sign3A_50 : i1 to i32
      %sign3A_52 = arith.subi %sign3A_48, %sign3A_51 : i32
      %ne3A = arith.cmpi ne, %sign3A_45, %sign3A_52 : i32
      %rem3A = arith.remsi %mul3A_39, %jit3A : i32
      %ne3A_53 = arith.constant 0 : i32
      %ne3A_54 = arith.cmpi ne, %rem3A, %ne3A_53 : i32
      %and3A = arith.andi %ne3A, %ne3A_54 : i1
      %sub3A = arith.constant 1 : i32
      %sub3A_55 = arith.subi %div3A, %sub3A : i32
      %select_n3A = arith.select %and3A, %sub3A_55, %div3A : i32
      %jit3A_56 = arith.constant 8192 : i32
      %eq3A = arith.constant 0 : i32
      %eq3A_57 = arith.cmpi eq, %jit3A_56, %eq3A : i32
      %jit3A_58 = arith.constant 1 : i32
      %select_n3A_59 = arith.select %eq3A_57, %jit3A_58, %jit3A_56 : i32
      %rem3A_60 = arith.remsi %mul3A_39, %select_n3A_59 : i32
      %ne3A_61 = arith.constant 0 : i32
      %ne3A_62 = arith.cmpi ne, %rem3A_60, %ne3A_61 : i32
      %lt3A = arith.constant 0 : i32
      %lt3A_63 = arith.cmpi slt, %rem3A_60, %lt3A : i32
      %lt3A_64 = arith.constant 0 : i32
      %lt3A_65 = arith.cmpi slt, %select_n3A_59, %lt3A_64 : i32
      %ne3A_66 = arith.xori %lt3A_63, %lt3A_65 : i1
      %and3A_67 = arith.andi %ne3A_66, %ne3A_62 : i1
      %add3A_68 = arith.addi %rem3A_60, %select_n3A_59 : i32
      %select_n3A_69 = arith.select %and3A_67, %add3A_68, %rem3A_60 : i32
      "tpu.region"() ({
        %run_scoped3A = tpu.sem_alloc : memref<!tpu.dma_semaphore, #tpu.memory_space<semaphore_mem>>
        %dma_start3A_70 = arith.constant 0 : i32
        %dma_start3A_71 = arith.constant 0 : i32
        %dma_start3A_72 = tpu.memref_slice %arg10[%dma_start3A_70, %dma_start3A_71] : memref<128x128xf32, #tpu.memory_space<vmem>> -> memref<128x32xf32, #tpu.memory_space<vmem>>
        %dma_start3A_73 = arith.constant 0 : i32
        %dma_start3A_74 = tpu.memref_slice %arg6[%select_n3A, %select_n3A_69, %dma_start3A_73] : memref<25x8192x128xf32, #tpu.memory_space<hbm>> -> memref<1x128x32xf32, #tpu.memory_space<hbm>>
        %dma_start3A_75 = tpu.memref_squeeze %dma_start3A_74 : memref<1x128x32xf32, #tpu.memory_space<hbm>> -> memref<128x32xf32, #tpu.memory_space<hbm>>
        %dma_start3A_76 = arith.constant 0 : i32
        %dma_start3A_77 = tpu.memref_slice %arg6[%select_n3A, %select_n3A_69, %dma_start3A_76] : memref<25x8192x128xf32, #tpu.memory_space<hbm>> -> memref<1x128x32xf32, #tpu.memory_space<hbm>>
        %dma_start3A_78 = tpu.memref_squeeze %dma_start3A_77 : memref<1x128x32xf32, #tpu.memory_space<hbm>> -> memref<128x32xf32, #tpu.memory_space<hbm>>
        %dma_start3A_79 = arith.constant 0 : i32
        %dma_start3A_80 = arith.constant 0 : i32
        %dma_start3A_81 = tpu.memref_slice %arg10[%dma_start3A_79, %dma_start3A_80] : memref<128x128xf32, #tpu.memory_space<vmem>> -> memref<128x32xf32, #tpu.memory_space<vmem>>
        tpu.enqueue_dma source(%dma_start3A_81 : memref<128x32xf32, #tpu.memory_space<vmem>>) target(%dma_start3A_78 : memref<128x32xf32, #tpu.memory_space<hbm>>) target_semaphore(%run_scoped3A : memref<!tpu.dma_semaphore, #tpu.memory_space<semaphore_mem>>)
        %dma_wait3A_82 = arith.constant 0 : i32
        %dma_wait3A_83 = arith.constant 0 : i32
        %dma_wait3A_84 = tpu.memref_slice %arg10[%dma_wait3A_82, %dma_wait3A_83] : memref<128x128xf32, #tpu.memory_space<vmem>> -> memref<128x32xf32, #tpu.memory_space<vmem>>
        %dma_wait3A_85 = arith.constant 0 : i32
        %dma_wait3A_86 = tpu.memref_slice %arg6[%select_n3A, %select_n3A_69, %dma_wait3A_85] : memref<25x8192x128xf32, #tpu.memory_space<hbm>> -> memref<1x128x32xf32, #tpu.memory_space<hbm>>
        %dma_wait3A_87 = tpu.memref_squeeze %dma_wait3A_86 : memref<1x128x32xf32, #tpu.memory_space<hbm>> -> memref<128x32xf32, #tpu.memory_space<hbm>>
        %dma_wait3A_88 = arith.constant 0 : i32
        %dma_wait3A_89 = tpu.memref_slice %arg6[%select_n3A, %select_n3A_69, %dma_wait3A_88] : memref<25x8192x128xf32, #tpu.memory_space<hbm>> -> memref<1x128x32xf32, #tpu.memory_space<hbm>>
        %dma_wait3A_90 = tpu.memref_squeeze %dma_wait3A_89 : memref<1x128x32xf32, #tpu.memory_space<hbm>> -> memref<128x32xf32, #tpu.memory_space<hbm>>
        %dma_wait3A_91 = arith.constant 0 : i32
        %dma_wait3A_92 = arith.constant 0 : i32
        %dma_wait3A_93 = tpu.memref_slice %arg10[%dma_wait3A_91, %dma_wait3A_92] : memref<128x128xf32, #tpu.memory_space<vmem>> -> memref<128x32xf32, #tpu.memory_space<vmem>>
        tpu.wait_dma2 semaphore(%run_scoped3A : memref<!tpu.dma_semaphore, #tpu.memory_space<semaphore_mem>>) src(%dma_wait3A_93 : memref<128x32xf32, #tpu.memory_space<vmem>>) dst(%dma_wait3A_90 : memref<128x32xf32, #tpu.memory_space<hbm>>)
        tpu.yield
      }) : () -> ()
    }
    %scan3A_7 = arith.constant 50 : i32
    %mul3A_8 = arith.constant 50 : i32
    %mul3A_9 = arith.muli %add3A, %mul3A_8 : i32
    %mul3A_10 = arith.constant 128 : i32
    %mul3A_11 = arith.muli %mul3A_9, %mul3A_10 : i32
    "tpu.region"() ({
      %run_scoped3A = tpu.sem_alloc : memref<!tpu.dma_semaphore, #tpu.memory_space<semaphore_mem>>
      %dma_start3A = tpu.memref_slice %arg7[%mul3A_11] : memref<204800xi32, #tpu.memory_space<hbm>> -> memref<6400xi32, #tpu.memory_space<hbm>>
      %dma_start3A_12 = tpu.memref_slice %arg7[%mul3A_11] : memref<204800xi32, #tpu.memory_space<hbm>> -> memref<6400xi32, #tpu.memory_space<hbm>>
      tpu.enqueue_dma source(%arg11 : memref<6400xi32, #tpu.memory_space<vmem>>) target(%dma_start3A_12 : memref<6400xi32, #tpu.memory_space<hbm>>) target_semaphore(%run_scoped3A : memref<!tpu.dma_semaphore, #tpu.memory_space<semaphore_mem>>)
      %dma_wait3A = tpu.memref_slice %arg7[%mul3A_11] : memref<204800xi32, #tpu.memory_space<hbm>> -> memref<6400xi32, #tpu.memory_space<hbm>>
      %dma_wait3A_13 = tpu.memref_slice %arg7[%mul3A_11] : memref<204800xi32, #tpu.memory_space<hbm>> -> memref<6400xi32, #tpu.memory_space<hbm>>
      tpu.wait_dma2 semaphore(%run_scoped3A : memref<!tpu.dma_semaphore, #tpu.memory_space<semaphore_mem>>) src(%arg11 : memref<6400xi32, #tpu.memory_space<vmem>>) dst(%dma_wait3A_13 : memref<6400xi32, #tpu.memory_space<hbm>>)
      tpu.yield
    }) : () -> ()
    return
  }
}

module attributes {stable_mosaic.version = 14 : i64} {
  func.func @_transpose_body(%arg0: i32, %arg1: memref<32x32768xf32, #tpu.memory_space<vmem>>, %arg2: memref<32768x128xf32, #tpu.memory_space<vmem>>) attributes {dimension_semantics = [#tpu.dimension_semantics<arbitrary>], iteration_bounds = array<i64: 31>, scalar_prefetch = 0 : i64, scratch_operands = 0 : i64, tpu.core_type = #tpu.core_type<tc>, window_params = [{transform_indices = @transform_0, window_bounds = array<i64: 32, 32768>}, {transform_indices = @transform_1, window_bounds = array<i64: 32768, 128>}]} {
    %get3A = arith.constant 0 : index
    %get3A_0 = arith.constant 0 : index
    %get3A_1 = vector.load %arg1[%get3A, %get3A_0] : memref<32x32768xf32, #tpu.memory_space<vmem>>, vector<32x8192xf32>
    %transpose3A = tpu.transpose %get3A_1, [1, 0] : vector<32x8192xf32> -> vector<8192x32xf32>
    %swap3A = arith.constant 0 : index
    %swap3A_2 = arith.constant 0 : index
    %swap3A_3 = vector.load %arg2[%swap3A, %swap3A_2] : memref<32768x128xf32, #tpu.memory_space<vmem>>, vector<8192x32xf32>
    tpu.vector_store %arg2[%swap3A, %swap3A_2], %transpose3A {strides = array<i32>} : memref<32768x128xf32, #tpu.memory_space<vmem>>, vector<8192x32xf32>,
    %get3A_4 = arith.constant 0 : index
    %get3A_5 = arith.constant 8192 : index
    %get3A_6 = vector.load %arg1[%get3A_4, %get3A_5] : memref<32x32768xf32, #tpu.memory_space<vmem>>, vector<32x8192xf32>
    %transpose3A_7 = tpu.transpose %get3A_6, [1, 0] : vector<32x8192xf32> -> vector<8192x32xf32>
    %swap3A_8 = arith.constant 8192 : index
    %swap3A_9 = arith.constant 0 : index
    %swap3A_10 = vector.load %arg2[%swap3A_8, %swap3A_9] : memref<32768x128xf32, #tpu.memory_space<vmem>>, vector<8192x32xf32>
    tpu.vector_store %arg2[%swap3A_8, %swap3A_9], %transpose3A_7 {strides = array<i32>} : memref<32768x128xf32, #tpu.memory_space<vmem>>, vector<8192x32xf32>,
    %get3A_11 = arith.constant 0 : index
    %get3A_12 = arith.constant 16384 : index
    %get3A_13 = vector.load %arg1[%get3A_11, %get3A_12] : memref<32x32768xf32, #tpu.memory_space<vmem>>, vector<32x8192xf32>
    %transpose3A_14 = tpu.transpose %get3A_13, [1, 0] : vector<32x8192xf32> -> vector<8192x32xf32>
    %swap3A_15 = arith.constant 16384 : index
    %swap3A_16 = arith.constant 0 : index
    %swap3A_17 = vector.load %arg2[%swap3A_15, %swap3A_16] : memref<32768x128xf32, #tpu.memory_space<vmem>>, vector<8192x32xf32>
    tpu.vector_store %arg2[%swap3A_15, %swap3A_16], %transpose3A_14 {strides = array<i32>} : memref<32768x128xf32, #tpu.memory_space<vmem>>, vector<8192x32xf32>,
    %get3A_18 = arith.constant 0 : index
    %get3A_19 = arith.constant 24576 : index
    %get3A_20 = vector.load %arg1[%get3A_18, %get3A_19] : memref<32x32768xf32, #tpu.memory_space<vmem>>, vector<32x8192xf32>
    %transpose3A_21 = tpu.transpose %get3A_20, [1, 0] : vector<32x8192xf32> -> vector<8192x32xf32>
    %swap3A_22 = arith.constant 24576 : index
    %swap3A_23 = arith.constant 0 : index
    %swap3A_24 = vector.load %arg2[%swap3A_22, %swap3A_23] : memref<32768x128xf32, #tpu.memory_space<vmem>>, vector<8192x32xf32>
    tpu.vector_store %arg2[%swap3A_22, %swap3A_23], %transpose3A_21 {strides = array<i32>} : memref<32768x128xf32, #tpu.memory_space<vmem>>, vector<8192x32xf32>,
    return
  }
  func.func @transform_0(%arg0: i32) -> (i32, i32) {
    %c0_i32 = arith.constant 0 : i32
    %c0_i32_0 = arith.constant 0 : i32
    return %c0_i32, %arg0 : i32, i32
  }
  func.func @transform_1(%arg0: i32) -> (i32, i32) {
    %c0_i32 = arith.constant 0 : i32
    %c0_i32_0 = arith.constant 0 : i32
    return %arg0, %c0_i32 : i32, i32
  }
}

module attributes {stable_mosaic.version = 14 : i64} {
  func.func @_compute_body(%arg0: i32, %arg1: memref<1x8192x128xf32, #tpu.memory_space<vmem>>, %arg2: memref<1x8192x128xf32, #tpu.memory_space<vmem>>, %arg3: memref<1x8192x128xf32, #tpu.memory_space<vmem>>, %arg4: memref<1x8x1024xf32, #tpu.memory_space<vmem>>, %arg5: memref<1x8x1024xf32, #tpu.memory_space<vmem>>, %arg6: memref<1x8x1024xi32, #tpu.memory_space<vmem>>, %arg7: memref<1x128xf32, #tpu.memory_space<vmem>>, %arg8: memref<1x128xf32, #tpu.memory_space<vmem>>, %arg9: memref<1x128xf32, #tpu.memory_space<vmem>>, %arg10: memref<1x128xf32, #tpu.memory_space<vmem>>, %arg11: memref<1x128xf32, #tpu.memory_space<vmem>>, %arg12: memref<1x128xf32, #tpu.memory_space<vmem>>, %arg13: memref<1x128xf32, #tpu.memory_space<vmem>>) attributes {dimension_semantics = [#tpu.dimension_semantics<arbitrary>], iteration_bounds = array<i64: 25>, scalar_prefetch = 0 : i64, scratch_operands = 0 : i64, tpu.core_type = #tpu.core_type<tc>, window_params = [{transform_indices = @transform_0, window_bounds = array<i64: 1, 8192, 128>}, {transform_indices = @transform_1, window_bounds = array<i64: 1, 8192, 128>}, {transform_indices = @transform_2, window_bounds = array<i64: 1, 8192, 128>}, {transform_indices = @transform_3, window_bounds = array<i64: 1, 8, 1024>}, {transform_indices = @transform_4, window_bounds = array<i64: 1, 8, 1024>}, {transform_indices = @transform_5, window_bounds = array<i64: 1, 8, 1024>}, {pipeline_mode = #tpu.pipeline_mode<synchronous>, transform_indices = @transform_6, window_bounds = array<i64: 1, 128>}, {pipeline_mode = #tpu.pipeline_mode<synchronous>, transform_indices = @transform_7, window_bounds = array<i64: 1, 128>}, {pipeline_mode = #tpu.pipeline_mode<synchronous>, transform_indices = @transform_8, window_bounds = array<i64: 1, 128>}, {pipeline_mode = #tpu.pipeline_mode<synchronous>, transform_indices = @transform_9, window_bounds = array<i64: 1, 128>}, {pipeline_mode = #tpu.pipeline_mode<synchronous>, transform_indices = @transform_10, window_bounds = array<i64: 1, 128>}, {pipeline_mode = #tpu.pipeline_mode<synchronous>, transform_indices = @transform_11, window_bounds = array<i64: 1, 128>}, {pipeline_mode = #tpu.pipeline_mode<synchronous>, transform_indices = @transform_12, window_bounds = array<i64: 1, 128>}]} {
    %get3A = arith.constant 0 : index
    %get3A_0 = arith.constant 0 : index
    %get3A_1 = arith.constant 0 : index
    %get3A_2 = vector.load %arg1[%get3A, %get3A_0, %get3A_1] : memref<1x8192x128xf32, #tpu.memory_space<vmem>>, vector<1x8192x128xf32>
    %get3A_3 = vector.shape_cast %get3A_2 : vector<1x8192x128xf32> to vector<8192x128xf32>
    %get3A_4 = arith.constant 0 : index
    %get3A_5 = arith.constant 0 : index
    %get3A_6 = arith.constant 0 : index
    %get3A_7 = vector.load %arg2[%get3A_4, %get3A_5, %get3A_6] : memref<1x8192x128xf32, #tpu.memory_space<vmem>>, vector<1x8192x128xf32>
    %get3A_8 = vector.shape_cast %get3A_7 : vector<1x8192x128xf32> to vector<8192x128xf32>
    %get3A_9 = arith.constant 0 : index
    %get3A_10 = arith.constant 0 : index
    %get3A_11 = arith.constant 0 : index
    %get3A_12 = vector.load %arg3[%get3A_9, %get3A_10, %get3A_11] : memref<1x8192x128xf32, #tpu.memory_space<vmem>>, vector<1x8192x128xf32>
    %get3A_13 = vector.shape_cast %get3A_12 : vector<1x8192x128xf32> to vector<8192x128xf32>
    %get3A_14 = arith.constant 0 : index
    %get3A_15 = arith.constant 0 : index
    %get3A_16 = arith.constant 0 : index
    %get3A_17 = vector.load %arg4[%get3A_14, %get3A_15, %get3A_16] : memref<1x8x1024xf32, #tpu.memory_space<vmem>>, vector<1x8x1024xf32>
    %get3A_18 = vector.shape_cast %get3A_17 : vector<1x8x1024xf32> to vector<8x1024xf32>
    %get3A_19 = arith.constant 0 : index
    %get3A_20 = arith.constant 0 : index
    %get3A_21 = arith.constant 0 : index
    %get3A_22 = vector.load %arg5[%get3A_19, %get3A_20, %get3A_21] : memref<1x8x1024xf32, #tpu.memory_space<vmem>>, vector<1x8x1024xf32>
    %get3A_23 = vector.shape_cast %get3A_22 : vector<1x8x1024xf32> to vector<8x1024xf32>
    %get3A_24 = arith.constant 0 : index
    %get3A_25 = arith.constant 0 : index
    %get3A_26 = arith.constant 0 : index
    %get3A_27 = vector.load %arg6[%get3A_24, %get3A_25, %get3A_26] : memref<1x8x1024xi32, #tpu.memory_space<vmem>>, vector<1x8x1024xi32>
    %get3A_28 = vector.shape_cast %get3A_27 : vector<1x8x1024xi32> to vector<8x1024xi32>
    %iota3A = tpu.iota {dimensions = array<i32: 1>} : vector<8192x128xi32>
    %lt3A = arith.constant 32 : i32
    %lt3A_29 = vector.broadcast %lt3A : i32 to vector<8192x128xi32>
    %lt3A_30 = arith.cmpi slt, %iota3A, %lt3A_29 : vector<8192x128xi32>
    %broadcast_in_dim3A = arith.constant 1.000000e+00 : f32
    %broadcast_in_dim3A_31 = vector.broadcast %broadcast_in_dim3A : f32 to vector<128x1xf32>
    %mul3A = arith.mulf %get3A_3, %get3A_8 : vector<8192x128xf32>
    %jit3A = arith.constant 0.000000e+00 : f32
    %broadcast_in_dim3A_32 = vector.broadcast %jit3A : f32 to vector<8192x128xf32>
    %select_n3A = arith.select %lt3A_30, %mul3A, %broadcast_in_dim3A_32 : vector<8192x128xi1>, vector<8192x128xf32>
    %slice3A = vector.extract_strided_slice %select_n3A {offsets = [0, 0], sizes = [1024, 128], strides = [1, 1]} : vector<8192x128xf32> to vector<1024x128xf32>
    %dot_general3A = arith.constant dense<0.000000e+00> : vector<1x1024xf32>
    %dot_general3A_33 = tpu.matmul %broadcast_in_dim3A_31, %slice3A, %dot_general3A {dimension_numbers = #tpu.dot_dimension_numbers<[0], [1], [1], [0], [0, 1, 1, 0], [], []>, transpose_lhs_hint = false} : vector<128x1xf32>, vector<1024x128xf32>, vector<1x1024xf32> -> vector<1x1024xf32>
    %slice3A_34 = vector.extract_strided_slice %select_n3A {offsets = [1024, 0], sizes = [1024, 128], strides = [1, 1]} : vector<8192x128xf32> to vector<1024x128xf32>
    %dot_general3A_35 = arith.constant dense<0.000000e+00> : vector<1x1024xf32>
    %dot_general3A_36 = tpu.matmul %broadcast_in_dim3A_31, %slice3A_34, %dot_general3A_35 {dimension_numbers = #tpu.dot_dimension_numbers<[0], [1], [1], [0], [0, 1, 1, 0], [], []>, transpose_lhs_hint = false} : vector<128x1xf32>, vector<1024x128xf32>, vector<1x1024xf32> -> vector<1x1024xf32>
    %slice3A_37 = vector.extract_strided_slice %select_n3A {offsets = [2048, 0], sizes = [1024, 128], strides = [1, 1]} : vector<8192x128xf32> to vector<1024x128xf32>
    %dot_general3A_38 = arith.constant dense<0.000000e+00> : vector<1x1024xf32>
    %dot_general3A_39 = tpu.matmul %broadcast_in_dim3A_31, %slice3A_37, %dot_general3A_38 {dimension_numbers = #tpu.dot_dimension_numbers<[0], [1], [1], [0], [0, 1, 1, 0], [], []>, transpose_lhs_hint = false} : vector<128x1xf32>, vector<1024x128xf32>, vector<1x1024xf32> -> vector<1x1024xf32>
    %slice3A_40 = vector.extract_strided_slice %select_n3A {offsets = [3072, 0], sizes = [1024, 128], strides = [1, 1]} : vector<8192x128xf32> to vector<1024x128xf32>
    %dot_general3A_41 = arith.constant dense<0.000000e+00> : vector<1x1024xf32>
    %dot_general3A_42 = tpu.matmul %broadcast_in_dim3A_31, %slice3A_40, %dot_general3A_41 {dimension_numbers = #tpu.dot_dimension_numbers<[0], [1], [1], [0], [0, 1, 1, 0], [], []>, transpose_lhs_hint = false} : vector<128x1xf32>, vector<1024x128xf32>, vector<1x1024xf32> -> vector<1x1024xf32>
    %slice3A_43 = vector.extract_strided_slice %select_n3A {offsets = [4096, 0], sizes = [1024, 128], strides = [1, 1]} : vector<8192x128xf32> to vector<1024x128xf32>
    %dot_general3A_44 = arith.constant dense<0.000000e+00> : vector<1x1024xf32>
    %dot_general3A_45 = tpu.matmul %broadcast_in_dim3A_31, %slice3A_43, %dot_general3A_44 {dimension_numbers = #tpu.dot_dimension_numbers<[0], [1], [1], [0], [0, 1, 1, 0], [], []>, transpose_lhs_hint = false} : vector<128x1xf32>, vector<1024x128xf32>, vector<1x1024xf32> -> vector<1x1024xf32>
    %slice3A_46 = vector.extract_strided_slice %select_n3A {offsets = [5120, 0], sizes = [1024, 128], strides = [1, 1]} : vector<8192x128xf32> to vector<1024x128xf32>
    %dot_general3A_47 = arith.constant dense<0.000000e+00> : vector<1x1024xf32>
    %dot_general3A_48 = tpu.matmul %broadcast_in_dim3A_31, %slice3A_46, %dot_general3A_47 {dimension_numbers = #tpu.dot_dimension_numbers<[0], [1], [1], [0], [0, 1, 1, 0], [], []>, transpose_lhs_hint = false} : vector<128x1xf32>, vector<1024x128xf32>, vector<1x1024xf32> -> vector<1x1024xf32>
    %slice3A_49 = vector.extract_strided_slice %select_n3A {offsets = [6144, 0], sizes = [1024, 128], strides = [1, 1]} : vector<8192x128xf32> to vector<1024x128xf32>
    %dot_general3A_50 = arith.constant dense<0.000000e+00> : vector<1x1024xf32>
    %dot_general3A_51 = tpu.matmul %broadcast_in_dim3A_31, %slice3A_49, %dot_general3A_50 {dimension_numbers = #tpu.dot_dimension_numbers<[0], [1], [1], [0], [0, 1, 1, 0], [], []>, transpose_lhs_hint = false} : vector<128x1xf32>, vector<1024x128xf32>, vector<1x1024xf32> -> vector<1x1024xf32>
    %slice3A_52 = vector.extract_strided_slice %select_n3A {offsets = [7168, 0], sizes = [1024, 128], strides = [1, 1]} : vector<8192x128xf32> to vector<1024x128xf32>
    %dot_general3A_53 = arith.constant dense<0.000000e+00> : vector<1x1024xf32>
    %dot_general3A_54 = tpu.matmul %broadcast_in_dim3A_31, %slice3A_52, %dot_general3A_53 {dimension_numbers = #tpu.dot_dimension_numbers<[0], [1], [1], [0], [0, 1, 1, 0], [], []>, transpose_lhs_hint = false} : vector<128x1xf32>, vector<1024x128xf32>, vector<1x1024xf32> -> vector<1x1024xf32>
    %concatenate3A = tpu.concatenate %dot_general3A_33, %dot_general3A_36, %dot_general3A_39, %dot_general3A_42, %dot_general3A_45, %dot_general3A_48, %dot_general3A_51, %dot_general3A_54 in 0 : vector<1x1024xf32>, vector<1x1024xf32>, vector<1x1024xf32>, vector<1x1024xf32>, vector<1x1024xf32>, vector<1x1024xf32>, vector<1x1024xf32>, vector<1x1024xf32> -> vector<8x1024xf32>
    %mul3A_55 = arith.mulf %get3A_3, %get3A_13 : vector<8192x128xf32>
    %jit3A_56 = arith.constant 0.000000e+00 : f32
    %broadcast_in_dim3A_57 = vector.broadcast %jit3A_56 : f32 to vector<8192x128xf32>
    %select_n3A_58 = arith.select %lt3A_30, %mul3A_55, %broadcast_in_dim3A_57 : vector<8192x128xi1>, vector<8192x128xf32>
    %slice3A_59 = vector.extract_strided_slice %select_n3A_58 {offsets = [0, 0], sizes = [1024, 128], strides = [1, 1]} : vector<8192x128xf32> to vector<1024x128xf32>
    %dot_general3A_60 = arith.constant dense<0.000000e+00> : vector<1x1024xf32>
    %dot_general3A_61 = tpu.matmul %broadcast_in_dim3A_31, %slice3A_59, %dot_general3A_60 {dimension_numbers = #tpu.dot_dimension_numbers<[0], [1], [1], [0], [0, 1, 1, 0], [], []>, transpose_lhs_hint = false} : vector<128x1xf32>, vector<1024x128xf32>, vector<1x1024xf32> -> vector<1x1024xf32>
    %slice3A_62 = vector.extract_strided_slice %select_n3A_58 {offsets = [1024, 0], sizes = [1024, 128], strides = [1, 1]} : vector<8192x128xf32> to vector<1024x128xf32>
    %dot_general3A_63 = arith.constant dense<0.000000e+00> : vector<1x1024xf32>
    %dot_general3A_64 = tpu.matmul %broadcast_in_dim3A_31, %slice3A_62, %dot_general3A_63 {dimension_numbers = #tpu.dot_dimension_numbers<[0], [1], [1], [0], [0, 1, 1, 0], [], []>, transpose_lhs_hint = false} : vector<128x1xf32>, vector<1024x128xf32>, vector<1x1024xf32> -> vector<1x1024xf32>
    %slice3A_65 = vector.extract_strided_slice %select_n3A_58 {offsets = [2048, 0], sizes = [1024, 128], strides = [1, 1]} : vector<8192x128xf32> to vector<1024x128xf32>
    %dot_general3A_66 = arith.constant dense<0.000000e+00> : vector<1x1024xf32>
    %dot_general3A_67 = tpu.matmul %broadcast_in_dim3A_31, %slice3A_65, %dot_general3A_66 {dimension_numbers = #tpu.dot_dimension_numbers<[0], [1], [1], [0], [0, 1, 1, 0], [], []>, transpose_lhs_hint = false} : vector<128x1xf32>, vector<1024x128xf32>, vector<1x1024xf32> -> vector<1x1024xf32>
    %slice3A_68 = vector.extract_strided_slice %select_n3A_58 {offsets = [3072, 0], sizes = [1024, 128], strides = [1, 1]} : vector<8192x128xf32> to vector<1024x128xf32>
    %dot_general3A_69 = arith.constant dense<0.000000e+00> : vector<1x1024xf32>
    %dot_general3A_70 = tpu.matmul %broadcast_in_dim3A_31, %slice3A_68, %dot_general3A_69 {dimension_numbers = #tpu.dot_dimension_numbers<[0], [1], [1], [0], [0, 1, 1, 0], [], []>, transpose_lhs_hint = false} : vector<128x1xf32>, vector<1024x128xf32>, vector<1x1024xf32> -> vector<1x1024xf32>
    %slice3A_71 = vector.extract_strided_slice %select_n3A_58 {offsets = [4096, 0], sizes = [1024, 128], strides = [1, 1]} : vector<8192x128xf32> to vector<1024x128xf32>
    %dot_general3A_72 = arith.constant dense<0.000000e+00> : vector<1x1024xf32>
    %dot_general3A_73 = tpu.matmul %broadcast_in_dim3A_31, %slice3A_71, %dot_general3A_72 {dimension_numbers = #tpu.dot_dimension_numbers<[0], [1], [1], [0], [0, 1, 1, 0], [], []>, transpose_lhs_hint = false} : vector<128x1xf32>, vector<1024x128xf32>, vector<1x1024xf32> -> vector<1x1024xf32>
    %slice3A_74 = vector.extract_strided_slice %select_n3A_58 {offsets = [5120, 0], sizes = [1024, 128], strides = [1, 1]} : vector<8192x128xf32> to vector<1024x128xf32>
    %dot_general3A_75 = arith.constant dense<0.000000e+00> : vector<1x1024xf32>
    %dot_general3A_76 = tpu.matmul %broadcast_in_dim3A_31, %slice3A_74, %dot_general3A_75 {dimension_numbers = #tpu.dot_dimension_numbers<[0], [1], [1], [0], [0, 1, 1, 0], [], []>, transpose_lhs_hint = false} : vector<128x1xf32>, vector<1024x128xf32>, vector<1x1024xf32> -> vector<1x1024xf32>
    %slice3A_77 = vector.extract_strided_slice %select_n3A_58 {offsets = [6144, 0], sizes = [1024, 128], strides = [1, 1]} : vector<8192x128xf32> to vector<1024x128xf32>
    %dot_general3A_78 = arith.constant dense<0.000000e+00> : vector<1x1024xf32>
    %dot_general3A_79 = tpu.matmul %broadcast_in_dim3A_31, %slice3A_77, %dot_general3A_78 {dimension_numbers = #tpu.dot_dimension_numbers<[0], [1], [1], [0], [0, 1, 1, 0], [], []>, transpose_lhs_hint = false} : vector<128x1xf32>, vector<1024x128xf32>, vector<1x1024xf32> -> vector<1x1024xf32>
    %slice3A_80 = vector.extract_strided_slice %select_n3A_58 {offsets = [7168, 0], sizes = [1024, 128], strides = [1, 1]} : vector<8192x128xf32> to vector<1024x128xf32>
    %dot_general3A_81 = arith.constant dense<0.000000e+00> : vector<1x1024xf32>
    %dot_general3A_82 = tpu.matmul %broadcast_in_dim3A_31, %slice3A_80, %dot_general3A_81 {dimension_numbers = #tpu.dot_dimension_numbers<[0], [1], [1], [0], [0, 1, 1, 0], [], []>, transpose_lhs_hint = false} : vector<128x1xf32>, vector<1024x128xf32>, vector<1x1024xf32> -> vector<1x1024xf32>
    %concatenate3A_83 = tpu.concatenate %dot_general3A_61, %dot_general3A_64, %dot_general3A_67, %dot_general3A_70, %dot_general3A_73, %dot_general3A_76, %dot_general3A_79, %dot_general3A_82 in 0 : vector<1x1024xf32>, vector<1x1024xf32>, vector<1x1024xf32>, vector<1x1024xf32>, vector<1x1024xf32>, vector<1x1024xf32>, vector<1x1024xf32>, vector<1x1024xf32> -> vector<8x1024xf32>
    %sub3A = arith.subf %get3A_8, %get3A_13 : vector<8192x128xf32>
    %mul3A_84 = arith.mulf %sub3A, %sub3A : vector<8192x128xf32>
    %jit3A_85 = arith.constant 0.000000e+00 : f32
    %broadcast_in_dim3A_86 = vector.broadcast %jit3A_85 : f32 to vector<8192x128xf32>
    %select_n3A_87 = arith.select %lt3A_30, %mul3A_84, %broadcast_in_dim3A_86 : vector<8192x128xi1>, vector<8192x128xf32>
    %slice3A_88 = vector.extract_strided_slice %select_n3A_87 {offsets = [0, 0], sizes = [1024, 128], strides = [1, 1]} : vector<8192x128xf32> to vector<1024x128xf32>
    %dot_general3A_89 = arith.constant dense<0.000000e+00> : vector<1x1024xf32>
    %dot_general3A_90 = tpu.matmul %broadcast_in_dim3A_31, %slice3A_88, %dot_general3A_89 {dimension_numbers = #tpu.dot_dimension_numbers<[0], [1], [1], [0], [0, 1, 1, 0], [], []>, transpose_lhs_hint = false} : vector<128x1xf32>, vector<1024x128xf32>, vector<1x1024xf32> -> vector<1x1024xf32>
    %slice3A_91 = vector.extract_strided_slice %select_n3A_87 {offsets = [1024, 0], sizes = [1024, 128], strides = [1, 1]} : vector<8192x128xf32> to vector<1024x128xf32>
    %dot_general3A_92 = arith.constant dense<0.000000e+00> : vector<1x1024xf32>
    %dot_general3A_93 = tpu.matmul %broadcast_in_dim3A_31, %slice3A_91, %dot_general3A_92 {dimension_numbers = #tpu.dot_dimension_numbers<[0], [1], [1], [0], [0, 1, 1, 0], [], []>, transpose_lhs_hint = false} : vector<128x1xf32>, vector<1024x128xf32>, vector<1x1024xf32> -> vector<1x1024xf32>
    %slice3A_94 = vector.extract_strided_slice %select_n3A_87 {offsets = [2048, 0], sizes = [1024, 128], strides = [1, 1]} : vector<8192x128xf32> to vector<1024x128xf32>
    %dot_general3A_95 = arith.constant dense<0.000000e+00> : vector<1x1024xf32>
    %dot_general3A_96 = tpu.matmul %broadcast_in_dim3A_31, %slice3A_94, %dot_general3A_95 {dimension_numbers = #tpu.dot_dimension_numbers<[0], [1], [1], [0], [0, 1, 1, 0], [], []>, transpose_lhs_hint = false} : vector<128x1xf32>, vector<1024x128xf32>, vector<1x1024xf32> -> vector<1x1024xf32>
    %slice3A_97 = vector.extract_strided_slice %select_n3A_87 {offsets = [3072, 0], sizes = [1024, 128], strides = [1, 1]} : vector<8192x128xf32> to vector<1024x128xf32>
    %dot_general3A_98 = arith.constant dense<0.000000e+00> : vector<1x1024xf32>
    %dot_general3A_99 = tpu.matmul %broadcast_in_dim3A_31, %slice3A_97, %dot_general3A_98 {dimension_numbers = #tpu.dot_dimension_numbers<[0], [1], [1], [0], [0, 1, 1, 0], [], []>, transpose_lhs_hint = false} : vector<128x1xf32>, vector<1024x128xf32>, vector<1x1024xf32> -> vector<1x1024xf32>
    %slice3A_100 = vector.extract_strided_slice %select_n3A_87 {offsets = [4096, 0], sizes = [1024, 128], strides = [1, 1]} : vector<8192x128xf32> to vector<1024x128xf32>
    %dot_general3A_101 = arith.constant dense<0.000000e+00> : vector<1x1024xf32>
    %dot_general3A_102 = tpu.matmul %broadcast_in_dim3A_31, %slice3A_100, %dot_general3A_101 {dimension_numbers = #tpu.dot_dimension_numbers<[0], [1], [1], [0], [0, 1, 1, 0], [], []>, transpose_lhs_hint = false} : vector<128x1xf32>, vector<1024x128xf32>, vector<1x1024xf32> -> vector<1x1024xf32>
    %slice3A_103 = vector.extract_strided_slice %select_n3A_87 {offsets = [5120, 0], sizes = [1024, 128], strides = [1, 1]} : vector<8192x128xf32> to vector<1024x128xf32>
    %dot_general3A_104 = arith.constant dense<0.000000e+00> : vector<1x1024xf32>
    %dot_general3A_105 = tpu.matmul %broadcast_in_dim3A_31, %slice3A_103, %dot_general3A_104 {dimension_numbers = #tpu.dot_dimension_numbers<[0], [1], [1], [0], [0, 1, 1, 0], [], []>, transpose_lhs_hint = false} : vector<128x1xf32>, vector<1024x128xf32>, vector<1x1024xf32> -> vector<1x1024xf32>
    %slice3A_106 = vector.extract_strided_slice %select_n3A_87 {offsets = [6144, 0], sizes = [1024, 128], strides = [1, 1]} : vector<8192x128xf32> to vector<1024x128xf32>
    %dot_general3A_107 = arith.constant dense<0.000000e+00> : vector<1x1024xf32>
    %dot_general3A_108 = tpu.matmul %broadcast_in_dim3A_31, %slice3A_106, %dot_general3A_107 {dimension_numbers = #tpu.dot_dimension_numbers<[0], [1], [1], [0], [0, 1, 1, 0], [], []>, transpose_lhs_hint = false} : vector<128x1xf32>, vector<1024x128xf32>, vector<1x1024xf32> -> vector<1x1024xf32>
    %slice3A_109 = vector.extract_strided_slice %select_n3A_87 {offsets = [7168, 0], sizes = [1024, 128], strides = [1, 1]} : vector<8192x128xf32> to vector<1024x128xf32>
    %dot_general3A_110 = arith.constant dense<0.000000e+00> : vector<1x1024xf32>
    %dot_general3A_111 = tpu.matmul %broadcast_in_dim3A_31, %slice3A_109, %dot_general3A_110 {dimension_numbers = #tpu.dot_dimension_numbers<[0], [1], [1], [0], [0, 1, 1, 0], [], []>, transpose_lhs_hint = false} : vector<128x1xf32>, vector<1024x128xf32>, vector<1x1024xf32> -> vector<1x1024xf32>
    %concatenate3A_112 = tpu.concatenate %dot_general3A_90, %dot_general3A_93, %dot_general3A_96, %dot_general3A_99, %dot_general3A_102, %dot_general3A_105, %dot_general3A_108, %dot_general3A_111 in 0 : vector<1x1024xf32>, vector<1x1024xf32>, vector<1x1024xf32>, vector<1x1024xf32>, vector<1x1024xf32>, vector<1x1024xf32>, vector<1x1024xf32>, vector<1x1024xf32> -> vector<8x1024xf32>
    %mul3A_113 = arith.constant 8192 : i32
    %mul3A_114 = arith.muli %arg0, %mul3A_113 : i32
    %iota3A_115 = tpu.iota {dimensions = array<i32: 0>} : vector<8x1024xi32>
    %mul3A_116 = arith.constant 1024 : i32
    %mul3A_117 = vector.broadcast %mul3A_116 : i32 to vector<8x1024xi32>
    %mul3A_118 = arith.muli %iota3A_115, %mul3A_117 : vector<8x1024xi32>
    %add3A = vector.broadcast %mul3A_114 : i32 to vector<8x1024xi32>
    %add3A_119 = arith.addi %add3A, %mul3A_118 : vector<8x1024xi32>
    %iota3A_120 = tpu.iota {dimensions = array<i32: 1>} : vector<8x1024xi32>
    %add3A_121 = arith.addi %add3A_119, %iota3A_120 : vector<8x1024xi32>
    %eq3A = arith.cmpi eq, %get3A_28, %add3A_121 : vector<8x1024xi32>
    %convert_element_type3A = arith.extui %eq3A : vector<8x1024xi1> to vector<8x1024xi32>
    %convert_element_type3A_122 = arith.sitofp %convert_element_type3A : vector<8x1024xi32> to vector<8x1024xf32>
    %sub3A_123 = arith.constant 1.000000e+00 : f32
    %sub3A_124 = vector.broadcast %sub3A_123 : f32 to vector<8x1024xf32>
    %sub3A_125 = arith.subf %sub3A_124, %get3A_23 : vector<8x1024xf32>
    %max3A = arith.constant 0.000000e+00 : f32
    %max3A_126 = vector.broadcast %max3A : f32 to vector<8x1024xf32>
    %max3A_127 = arith.maximumf %concatenate3A, %max3A_126 : vector<8x1024xf32>
    %mul3A_128 = arith.mulf %concatenate3A, %get3A_18 : vector<8x1024xf32>
    %sub3A_129 = arith.subf %max3A_127, %mul3A_128 : vector<8x1024xf32>
    %abs3A = math.absf %concatenate3A : vector<8x1024xf32>
    %neg3A = arith.constant 0.000000e+00 : f32
    %neg3A_130 = vector.broadcast %neg3A : f32 to vector<8x1024xf32>
    %neg3A_131 = arith.subf %neg3A_130, %abs3A : vector<8x1024xf32>
    %exp3A = math.exp %neg3A_131 : vector<8x1024xf32>
    %log1p3A = math.log1p %exp3A : vector<8x1024xf32>
    %add3A_132 = arith.addf %sub3A_129, %log1p3A : vector<8x1024xf32>
    %mul3A_133 = arith.mulf %add3A_132, %sub3A_125 : vector<8x1024xf32>
    %reduce_sum3A = vector.shape_cast %mul3A_133 : vector<8x1024xf32> to vector<1x8x1024xf32>
    %reduce_sum3A_134 = arith.constant dense<0.000000e+00> : vector<1xf32>
    %reduce_sum3A_135 = vector.multi_reduction <add>, %reduce_sum3A, %reduce_sum3A_134 [1, 2] : vector<1x8x1024xf32> to vector<1xf32>
    %reduce_sum3A_136 = vector.shape_cast %reduce_sum3A_135 : vector<1xf32> to vector<1x1x1xf32>
    %reduce_sum3A_137 = vector.extract %reduce_sum3A_136[0, 0, 0] : f32 from vector<1x1x1xf32>
    %max3A_138 = arith.constant 0.000000e+00 : f32
    %max3A_139 = vector.broadcast %max3A_138 : f32 to vector<8x1024xf32>
    %max3A_140 = arith.maximumf %concatenate3A_83, %max3A_139 : vector<8x1024xf32>
    %mul3A_141 = arith.mulf %concatenate3A_83, %get3A_18 : vector<8x1024xf32>
    %sub3A_142 = arith.subf %max3A_140, %mul3A_141 : vector<8x1024xf32>
    %abs3A_143 = math.absf %concatenate3A_83 : vector<8x1024xf32>
    %neg3A_144 = arith.constant 0.000000e+00 : f32
    %neg3A_145 = vector.broadcast %neg3A_144 : f32 to vector<8x1024xf32>
    %neg3A_146 = arith.subf %neg3A_145, %abs3A_143 : vector<8x1024xf32>
    %exp3A_147 = math.exp %neg3A_146 : vector<8x1024xf32>
    %log1p3A_148 = math.log1p %exp3A_147 : vector<8x1024xf32>
    %add3A_149 = arith.addf %sub3A_142, %log1p3A_148 : vector<8x1024xf32>
    %mul3A_150 = arith.mulf %add3A_149, %get3A_23 : vector<8x1024xf32>
    %reduce_sum3A_151 = vector.shape_cast %mul3A_150 : vector<8x1024xf32> to vector<1x8x1024xf32>
    %reduce_sum3A_152 = arith.constant dense<0.000000e+00> : vector<1xf32>
    %reduce_sum3A_153 = vector.multi_reduction <add>, %reduce_sum3A_151, %reduce_sum3A_152 [1, 2] : vector<1x8x1024xf32> to vector<1xf32>
    %reduce_sum3A_154 = vector.shape_cast %reduce_sum3A_153 : vector<1xf32> to vector<1x1x1xf32>
    %reduce_sum3A_155 = vector.extract %reduce_sum3A_154[0, 0, 0] : f32 from vector<1x1x1xf32>
    %neg3A_156 = arith.constant 0.000000e+00 : f32
    %neg3A_157 = vector.broadcast %neg3A_156 : f32 to vector<8x1024xf32>
    %neg3A_158 = arith.subf %neg3A_157, %concatenate3A : vector<8x1024xf32>
    %exp3A_159 = math.exp %neg3A_158 : vector<8x1024xf32>
    %add3A_160 = arith.constant 1.000000e+00 : f32
    %add3A_161 = vector.broadcast %add3A_160 : f32 to vector<8x1024xf32>
    %add3A_162 = arith.addf %add3A_161, %exp3A_159 : vector<8x1024xf32>
    %div3A = arith.constant 1.000000e+00 : f32
    %div3A_163 = vector.broadcast %div3A : f32 to vector<8x1024xf32>
    %div3A_164 = arith.divf %div3A_163, %add3A_162 : vector<8x1024xf32>
    %sub3A_165 = arith.subf %div3A_164, %get3A_18 : vector<8x1024xf32>
    %abs3A_166 = math.absf %sub3A_165 : vector<8x1024xf32>
    %mul3A_167 = arith.mulf %abs3A_166, %sub3A_125 : vector<8x1024xf32>
    %reduce_sum3A_168 = vector.shape_cast %mul3A_167 : vector<8x1024xf32> to vector<1x8x1024xf32>
    %reduce_sum3A_169 = arith.constant dense<0.000000e+00> : vector<1xf32>
    %reduce_sum3A_170 = vector.multi_reduction <add>, %reduce_sum3A_168, %reduce_sum3A_169 [1, 2] : vector<1x8x1024xf32> to vector<1xf32>
    %reduce_sum3A_171 = vector.shape_cast %reduce_sum3A_170 : vector<1xf32> to vector<1x1x1xf32>
    %reduce_sum3A_172 = vector.extract %reduce_sum3A_171[0, 0, 0] : f32 from vector<1x1x1xf32>
    %neg3A_173 = arith.constant 0.000000e+00 : f32
    %neg3A_174 = vector.broadcast %neg3A_173 : f32 to vector<8x1024xf32>
    %neg3A_175 = arith.subf %neg3A_174, %concatenate3A_83 : vector<8x1024xf32>
    %exp3A_176 = math.exp %neg3A_175 : vector<8x1024xf32>
    %add3A_177 = arith.constant 1.000000e+00 : f32
    %add3A_178 = vector.broadcast %add3A_177 : f32 to vector<8x1024xf32>
    %add3A_179 = arith.addf %add3A_178, %exp3A_176 : vector<8x1024xf32>
    %div3A_180 = arith.constant 1.000000e+00 : f32
    %div3A_181 = vector.broadcast %div3A_180 : f32 to vector<8x1024xf32>
    %div3A_182 = arith.divf %div3A_181, %add3A_179 : vector<8x1024xf32>
    %sub3A_183 = arith.subf %div3A_182, %get3A_18 : vector<8x1024xf32>
    %abs3A_184 = math.absf %sub3A_183 : vector<8x1024xf32>
    %mul3A_185 = arith.mulf %abs3A_184, %get3A_23 : vector<8x1024xf32>
    %reduce_sum3A_186 = vector.shape_cast %mul3A_185 : vector<8x1024xf32> to vector<1x8x1024xf32>
    %reduce_sum3A_187 = arith.constant dense<0.000000e+00> : vector<1xf32>
    %reduce_sum3A_188 = vector.multi_reduction <add>, %reduce_sum3A_186, %reduce_sum3A_187 [1, 2] : vector<1x8x1024xf32> to vector<1xf32>
    %reduce_sum3A_189 = vector.shape_cast %reduce_sum3A_188 : vector<1xf32> to vector<1x1x1xf32>
    %reduce_sum3A_190 = vector.extract %reduce_sum3A_189[0, 0, 0] : f32 from vector<1x1x1xf32>
    %reduce_sum3A_191 = vector.shape_cast %get3A_23 : vector<8x1024xf32> to vector<1x8x1024xf32>
    %reduce_sum3A_192 = arith.constant dense<0.000000e+00> : vector<1xf32>
    %reduce_sum3A_193 = vector.multi_reduction <add>, %reduce_sum3A_191, %reduce_sum3A_192 [1, 2] : vector<1x8x1024xf32> to vector<1xf32>
    %reduce_sum3A_194 = vector.shape_cast %reduce_sum3A_193 : vector<1xf32> to vector<1x1x1xf32>
    %reduce_sum3A_195 = vector.extract %reduce_sum3A_194[0, 0, 0] : f32 from vector<1x1x1xf32>
    %mul3A_196 = arith.mulf %concatenate3A_112, %convert_element_type3A_122 : vector<8x1024xf32>
    %reduce_sum3A_197 = vector.shape_cast %mul3A_196 : vector<8x1024xf32> to vector<1x8x1024xf32>
    %reduce_sum3A_198 = arith.constant dense<0.000000e+00> : vector<1xf32>
    %reduce_sum3A_199 = vector.multi_reduction <add>, %reduce_sum3A_197, %reduce_sum3A_198 [1, 2] : vector<1x8x1024xf32> to vector<1xf32>
    %reduce_sum3A_200 = vector.shape_cast %reduce_sum3A_199 : vector<1xf32> to vector<1x1x1xf32>
    %reduce_sum3A_201 = vector.extract %reduce_sum3A_200[0, 0, 0] : f32 from vector<1x1x1xf32>
    %reduce_sum3A_202 = vector.shape_cast %convert_element_type3A_122 : vector<8x1024xf32> to vector<1x8x1024xf32>
    %reduce_sum3A_203 = arith.constant dense<0.000000e+00> : vector<1xf32>
    %reduce_sum3A_204 = vector.multi_reduction <add>, %reduce_sum3A_202, %reduce_sum3A_203 [1, 2] : vector<1x8x1024xf32> to vector<1xf32>
    %reduce_sum3A_205 = vector.shape_cast %reduce_sum3A_204 : vector<1xf32> to vector<1x1x1xf32>
    %reduce_sum3A_206 = vector.extract %reduce_sum3A_205[0, 0, 0] : f32 from vector<1x1x1xf32>
    %eq3A_207 = arith.constant 0 : i32
    %eq3A_208 = arith.cmpi eq, %arg0, %eq3A_207 : i32
    %convert_element_type3A_209 = arith.extui %eq3A_208 : i1 to i32
    %cond3A = arith.constant 0 : i32
    %cond3A_210 = arith.cmpi ne, %convert_element_type3A_209, %cond3A : i32
    scf.if %cond3A_210 {
      %broadcast_in_dim3A_296 = arith.constant 0.000000e+00 : f32
      %broadcast_in_dim3A_297 = vector.broadcast %broadcast_in_dim3A_296 : f32 to vector<1x128xf32>
      %swap3A_298 = arith.constant 0 : index
      %swap3A_299 = arith.constant 0 : index
      %swap3A_300 = vector.load %arg7[%swap3A_298, %swap3A_299] : memref<1x128xf32, #tpu.memory_space<vmem>>, vector<1x128xf32>
      tpu.vector_store %arg7[%swap3A_298, %swap3A_299], %broadcast_in_dim3A_297 {strides = array<i32>} : memref<1x128xf32, #tpu.memory_space<vmem>>, vector<1x128xf32>,
    } else {
    }
    %get3A_211 = arith.constant 0 : index
    %get3A_212 = arith.constant 0 : index
    %get3A_213 = vector.load %arg7[%get3A_211, %get3A_212] : memref<1x128xf32, #tpu.memory_space<vmem>>, vector<1x128xf32>
    %add3A_214 = vector.broadcast %reduce_sum3A_137 : f32 to vector<1x128xf32>
    %add3A_215 = arith.addf %get3A_213, %add3A_214 : vector<1x128xf32>
    %swap3A = arith.constant 0 : index
    %swap3A_216 = arith.constant 0 : index
    %swap3A_217 = vector.load %arg7[%swap3A, %swap3A_216] : memref<1x128xf32, #tpu.memory_space<vmem>>, vector<1x128xf32>
    tpu.vector_store %arg7[%swap3A, %swap3A_216], %add3A_215 {strides = array<i32>} : memref<1x128xf32, #tpu.memory_space<vmem>>, vector<1x128xf32>,
    %eq3A_218 = arith.constant 0 : i32
    %eq3A_219 = arith.cmpi eq, %arg0, %eq3A_218 : i32
    %convert_element_type3A_220 = arith.extui %eq3A_219 : i1 to i32
    %cond3A_221 = arith.constant 0 : i32
    %cond3A_222 = arith.cmpi ne, %convert_element_type3A_220, %cond3A_221 : i32
    scf.if %cond3A_222 {
      %broadcast_in_dim3A_296 = arith.constant 0.000000e+00 : f32
      %broadcast_in_dim3A_297 = vector.broadcast %broadcast_in_dim3A_296 : f32 to vector<1x128xf32>
      %swap3A_298 = arith.constant 0 : index
      %swap3A_299 = arith.constant 0 : index
      %swap3A_300 = vector.load %arg8[%swap3A_298, %swap3A_299] : memref<1x128xf32, #tpu.memory_space<vmem>>, vector<1x128xf32>
      tpu.vector_store %arg8[%swap3A_298, %swap3A_299], %broadcast_in_dim3A_297 {strides = array<i32>} : memref<1x128xf32, #tpu.memory_space<vmem>>, vector<1x128xf32>,
    } else {
    }
    %get3A_223 = arith.constant 0 : index
    %get3A_224 = arith.constant 0 : index
    %get3A_225 = vector.load %arg8[%get3A_223, %get3A_224] : memref<1x128xf32, #tpu.memory_space<vmem>>, vector<1x128xf32>
    %add3A_226 = vector.broadcast %reduce_sum3A_155 : f32 to vector<1x128xf32>
    %add3A_227 = arith.addf %get3A_225, %add3A_226 : vector<1x128xf32>
    %swap3A_228 = arith.constant 0 : index
    %swap3A_229 = arith.constant 0 : index
    %swap3A_230 = vector.load %arg8[%swap3A_228, %swap3A_229] : memref<1x128xf32, #tpu.memory_space<vmem>>, vector<1x128xf32>
    tpu.vector_store %arg8[%swap3A_228, %swap3A_229], %add3A_227 {strides = array<i32>} : memref<1x128xf32, #tpu.memory_space<vmem>>, vector<1x128xf32>,
    %eq3A_231 = arith.constant 0 : i32
    %eq3A_232 = arith.cmpi eq, %arg0, %eq3A_231 : i32
    %convert_element_type3A_233 = arith.extui %eq3A_232 : i1 to i32
    %cond3A_234 = arith.constant 0 : i32
    %cond3A_235 = arith.cmpi ne, %convert_element_type3A_233, %cond3A_234 : i32
    scf.if %cond3A_235 {
      %broadcast_in_dim3A_296 = arith.constant 0.000000e+00 : f32
      %broadcast_in_dim3A_297 = vector.broadcast %broadcast_in_dim3A_296 : f32 to vector<1x128xf32>
      %swap3A_298 = arith.constant 0 : index
      %swap3A_299 = arith.constant 0 : index
      %swap3A_300 = vector.load %arg9[%swap3A_298, %swap3A_299] : memref<1x128xf32, #tpu.memory_space<vmem>>, vector<1x128xf32>
      tpu.vector_store %arg9[%swap3A_298, %swap3A_299], %broadcast_in_dim3A_297 {strides = array<i32>} : memref<1x128xf32, #tpu.memory_space<vmem>>, vector<1x128xf32>,
    } else {
    }
    %get3A_236 = arith.constant 0 : index
    %get3A_237 = arith.constant 0 : index
    %get3A_238 = vector.load %arg9[%get3A_236, %get3A_237] : memref<1x128xf32, #tpu.memory_space<vmem>>, vector<1x128xf32>
    %add3A_239 = vector.broadcast %reduce_sum3A_172 : f32 to vector<1x128xf32>
    %add3A_240 = arith.addf %get3A_238, %add3A_239 : vector<1x128xf32>
    %swap3A_241 = arith.constant 0 : index
    %swap3A_242 = arith.constant 0 : index
    %swap3A_243 = vector.load %arg9[%swap3A_241, %swap3A_242] : memref<1x128xf32, #tpu.memory_space<vmem>>, vector<1x128xf32>
    tpu.vector_store %arg9[%swap3A_241, %swap3A_242], %add3A_240 {strides = array<i32>} : memref<1x128xf32, #tpu.memory_space<vmem>>, vector<1x128xf32>,
    %eq3A_244 = arith.constant 0 : i32
    %eq3A_245 = arith.cmpi eq, %arg0, %eq3A_244 : i32
    %convert_element_type3A_246 = arith.extui %eq3A_245 : i1 to i32
    %cond3A_247 = arith.constant 0 : i32
    %cond3A_248 = arith.cmpi ne, %convert_element_type3A_246, %cond3A_247 : i32
    scf.if %cond3A_248 {
      %broadcast_in_dim3A_296 = arith.constant 0.000000e+00 : f32
      %broadcast_in_dim3A_297 = vector.broadcast %broadcast_in_dim3A_296 : f32 to vector<1x128xf32>
      %swap3A_298 = arith.constant 0 : index
      %swap3A_299 = arith.constant 0 : index
      %swap3A_300 = vector.load %arg10[%swap3A_298, %swap3A_299] : memref<1x128xf32, #tpu.memory_space<vmem>>, vector<1x128xf32>
      tpu.vector_store %arg10[%swap3A_298, %swap3A_299], %broadcast_in_dim3A_297 {strides = array<i32>} : memref<1x128xf32, #tpu.memory_space<vmem>>, vector<1x128xf32>,
    } else {
    }
    %get3A_249 = arith.constant 0 : index
    %get3A_250 = arith.constant 0 : index
    %get3A_251 = vector.load %arg10[%get3A_249, %get3A_250] : memref<1x128xf32, #tpu.memory_space<vmem>>, vector<1x128xf32>
    %add3A_252 = vector.broadcast %reduce_sum3A_190 : f32 to vector<1x128xf32>
    %add3A_253 = arith.addf %get3A_251, %add3A_252 : vector<1x128xf32>
    %swap3A_254 = arith.constant 0 : index
    %swap3A_255 = arith.constant 0 : index
    %swap3A_256 = vector.load %arg10[%swap3A_254, %swap3A_255] : memref<1x128xf32, #tpu.memory_space<vmem>>, vector<1x128xf32>
    tpu.vector_store %arg10[%swap3A_254, %swap3A_255], %add3A_253 {strides = array<i32>} : memref<1x128xf32, #tpu.memory_space<vmem>>, vector<1x128xf32>,
    %eq3A_257 = arith.constant 0 : i32
    %eq3A_258 = arith.cmpi eq, %arg0, %eq3A_257 : i32
    %convert_element_type3A_259 = arith.extui %eq3A_258 : i1 to i32
    %cond3A_260 = arith.constant 0 : i32
    %cond3A_261 = arith.cmpi ne, %convert_element_type3A_259, %cond3A_260 : i32
    scf.if %cond3A_261 {
      %broadcast_in_dim3A_296 = arith.constant 0.000000e+00 : f32
      %broadcast_in_dim3A_297 = vector.broadcast %broadcast_in_dim3A_296 : f32 to vector<1x128xf32>
      %swap3A_298 = arith.constant 0 : index
      %swap3A_299 = arith.constant 0 : index
      %swap3A_300 = vector.load %arg11[%swap3A_298, %swap3A_299] : memref<1x128xf32, #tpu.memory_space<vmem>>, vector<1x128xf32>
      tpu.vector_store %arg11[%swap3A_298, %swap3A_299], %broadcast_in_dim3A_297 {strides = array<i32>} : memref<1x128xf32, #tpu.memory_space<vmem>>, vector<1x128xf32>,
    } else {
    }
    %get3A_262 = arith.constant 0 : index
    %get3A_263 = arith.constant 0 : index
    %get3A_264 = vector.load %arg11[%get3A_262, %get3A_263] : memref<1x128xf32, #tpu.memory_space<vmem>>, vector<1x128xf32>
    %add3A_265 = vector.broadcast %reduce_sum3A_195 : f32 to vector<1x128xf32>
    %add3A_266 = arith.addf %get3A_264, %add3A_265 : vector<1x128xf32>
    %swap3A_267 = arith.constant 0 : index
    %swap3A_268 = arith.constant 0 : index
    %swap3A_269 = vector.load %arg11[%swap3A_267, %swap3A_268] : memref<1x128xf32, #tpu.memory_space<vmem>>, vector<1x128xf32>
    tpu.vector_store %arg11[%swap3A_267, %swap3A_268], %add3A_266 {strides = array<i32>} : memref<1x128xf32, #tpu.memory_space<vmem>>, vector<1x128xf32>,
    %eq3A_270 = arith.constant 0 : i32
    %eq3A_271 = arith.cmpi eq, %arg0, %eq3A_270 : i32
    %convert_element_type3A_272 = arith.extui %eq3A_271 : i1 to i32
    %cond3A_273 = arith.constant 0 : i32
    %cond3A_274 = arith.cmpi ne, %convert_element_type3A_272, %cond3A_273 : i32
    scf.if %cond3A_274 {
      %broadcast_in_dim3A_296 = arith.constant 0.000000e+00 : f32
      %broadcast_in_dim3A_297 = vector.broadcast %broadcast_in_dim3A_296 : f32 to vector<1x128xf32>
      %swap3A_298 = arith.constant 0 : index
      %swap3A_299 = arith.constant 0 : index
      %swap3A_300 = vector.load %arg12[%swap3A_298, %swap3A_299] : memref<1x128xf32, #tpu.memory_space<vmem>>, vector<1x128xf32>
      tpu.vector_store %arg12[%swap3A_298, %swap3A_299], %broadcast_in_dim3A_297 {strides = array<i32>} : memref<1x128xf32, #tpu.memory_space<vmem>>, vector<1x128xf32>,
    } else {
    }
    %get3A_275 = arith.constant 0 : index
    %get3A_276 = arith.constant 0 : index
    %get3A_277 = vector.load %arg12[%get3A_275, %get3A_276] : memref<1x128xf32, #tpu.memory_space<vmem>>, vector<1x128xf32>
    %add3A_278 = vector.broadcast %reduce_sum3A_201 : f32 to vector<1x128xf32>
    %add3A_279 = arith.addf %get3A_277, %add3A_278 : vector<1x128xf32>
    %swap3A_280 = arith.constant 0 : index
    %swap3A_281 = arith.constant 0 : index
    %swap3A_282 = vector.load %arg12[%swap3A_280, %swap3A_281] : memref<1x128xf32, #tpu.memory_space<vmem>>, vector<1x128xf32>
    tpu.vector_store %arg12[%swap3A_280, %swap3A_281], %add3A_279 {strides = array<i32>} : memref<1x128xf32, #tpu.memory_space<vmem>>, vector<1x128xf32>,
    %eq3A_283 = arith.constant 0 : i32
    %eq3A_284 = arith.cmpi eq, %arg0, %eq3A_283 : i32
    %convert_element_type3A_285 = arith.extui %eq3A_284 : i1 to i32
    %cond3A_286 = arith.constant 0 : i32
    %cond3A_287 = arith.cmpi ne, %convert_element_type3A_285, %cond3A_286 : i32
    scf.if %cond3A_287 {
      %broadcast_in_dim3A_296 = arith.constant 0.000000e+00 : f32
      %broadcast_in_dim3A_297 = vector.broadcast %broadcast_in_dim3A_296 : f32 to vector<1x128xf32>
      %swap3A_298 = arith.constant 0 : index
      %swap3A_299 = arith.constant 0 : index
      %swap3A_300 = vector.load %arg13[%swap3A_298, %swap3A_299] : memref<1x128xf32, #tpu.memory_space<vmem>>, vector<1x128xf32>
      tpu.vector_store %arg13[%swap3A_298, %swap3A_299], %broadcast_in_dim3A_297 {strides = array<i32>} : memref<1x128xf32, #tpu.memory_space<vmem>>, vector<1x128xf32>,
    } else {
    }
    %get3A_288 = arith.constant 0 : index
    %get3A_289 = arith.constant 0 : index
    %get3A_290 = vector.load %arg13[%get3A_288, %get3A_289] : memref<1x128xf32, #tpu.memory_space<vmem>>, vector<1x128xf32>
    %add3A_291 = vector.broadcast %reduce_sum3A_206 : f32 to vector<1x128xf32>
    %add3A_292 = arith.addf %get3A_290, %add3A_291 : vector<1x128xf32>
    %swap3A_293 = arith.constant 0 : index
    %swap3A_294 = arith.constant 0 : index
    %swap3A_295 = vector.load %arg13[%swap3A_293, %swap3A_294] : memref<1x128xf32, #tpu.memory_space<vmem>>, vector<1x128xf32>
    tpu.vector_store %arg13[%swap3A_293, %swap3A_294], %add3A_292 {strides = array<i32>} : memref<1x128xf32, #tpu.memory_space<vmem>>, vector<1x128xf32>,
    return
  }
  func.func @transform_0(%arg0: i32) -> (i32, i32, i32) {
    %c0_i32 = arith.constant 0 : i32
    %c0_i32_0 = arith.constant 0 : i32
    %c0_i32_1 = arith.constant 0 : i32
    return %arg0, %c0_i32, %c0_i32_0 : i32, i32, i32
  }
  func.func @transform_1(%arg0: i32) -> (i32, i32, i32) {
    %c0_i32 = arith.constant 0 : i32
    %c0_i32_0 = arith.constant 0 : i32
    %c0_i32_1 = arith.constant 0 : i32
    return %arg0, %c0_i32, %c0_i32_0 : i32, i32, i32
  }
  func.func @transform_2(%arg0: i32) -> (i32, i32, i32) {
    %c0_i32 = arith.constant 0 : i32
    %c0_i32_0 = arith.constant 0 : i32
    %c0_i32_1 = arith.constant 0 : i32
    return %arg0, %c0_i32, %c0_i32_0 : i32, i32, i32
  }
  func.func @transform_3(%arg0: i32) -> (i32, i32, i32) {
    %c0_i32 = arith.constant 0 : i32
    %c0_i32_0 = arith.constant 0 : i32
    %c0_i32_1 = arith.constant 0 : i32
    return %arg0, %c0_i32, %c0_i32_0 : i32, i32, i32
  }
  func.func @transform_4(%arg0: i32) -> (i32, i32, i32) {
    %c0_i32 = arith.constant 0 : i32
    %c0_i32_0 = arith.constant 0 : i32
    %c0_i32_1 = arith.constant 0 : i32
    return %arg0, %c0_i32, %c0_i32_0 : i32, i32, i32
  }
  func.func @transform_5(%arg0: i32) -> (i32, i32, i32) {
    %c0_i32 = arith.constant 0 : i32
    %c0_i32_0 = arith.constant 0 : i32
    %c0_i32_1 = arith.constant 0 : i32
    return %arg0, %c0_i32, %c0_i32_0 : i32, i32, i32
  }
  func.func @transform_6(%arg0: i32) -> (i32, i32) {
    %c0_i32 = arith.constant 0 : i32
    %c0_i32_0 = arith.constant 0 : i32
    %c0_i32_1 = arith.constant 0 : i32
    return %c0_i32, %c0_i32_0 : i32, i32
  }
  func.func @transform_7(%arg0: i32) -> (i32, i32) {
    %c0_i32 = arith.constant 0 : i32
    %c0_i32_0 = arith.constant 0 : i32
    %c0_i32_1 = arith.constant 0 : i32
    return %c0_i32, %c0_i32_0 : i32, i32
  }
  func.func @transform_8(%arg0: i32) -> (i32, i32) {
    %c0_i32 = arith.constant 0 : i32
    %c0_i32_0 = arith.constant 0 : i32
    %c0_i32_1 = arith.constant 0 : i32
    return %c0_i32, %c0_i32_0 : i32, i32
  }
  func.func @transform_9(%arg0: i32) -> (i32, i32) {
    %c0_i32 = arith.constant 0 : i32
    %c0_i32_0 = arith.constant 0 : i32
    %c0_i32_1 = arith.constant 0 : i32
    return %c0_i32, %c0_i32_0 : i32, i32
  }
  func.func @transform_10(%arg0: i32) -> (i32, i32) {
    %c0_i32 = arith.constant 0 : i32
    %c0_i32_0 = arith.constant 0 : i32
    %c0_i32_1 = arith.constant 0 : i32
    return %c0_i32, %c0_i32_0 : i32, i32
  }
  func.func @transform_11(%arg0: i32) -> (i32, i32) {
    %c0_i32 = arith.constant 0 : i32
    %c0_i32_0 = arith.constant 0 : i32
    %c0_i32_1 = arith.constant 0 : i32
    return %c0_i32, %c0_i32_0 : i32, i32
  }
  func.func @transform_12(%arg0: i32) -> (i32, i32) {
    %c0_i32 = arith.constant 0 : i32
    %c0_i32_0 = arith.constant 0 : i32
    %c0_i32_1 = arith.constant 0 : i32
    return %c0_i32, %c0_i32_0 : i32, i32
  }
}

</mosaic_0001>

<sc_bundles>
// kernel: sc_gather_it.3.cloned.1.call-start
scs
__scs_entry_jumppad:
0x0: {  	(pc) =	sbr.rel $0x88, $3  }
0x1: {  	(tag) =	ssettag $0x0;
	lr =	simm.s32 $0x1  }
0x2: {  	[smem:$0x3F9A] =	sst lr;
	_ =	strace $0xD0000000  }
0x3: {  	_ = 	snop  }
0x4: {  	_ = 	snop  }
0x5: {  	_ = 	snop  }
0x6: {  	_ = 	snop  }
0x7: {  	_ = 	snop  }
__scs_overlays_trampoline_lowered:
0x8: {  	[smem:$0x3FA9] =	sst s0  }
0x9: {  	[smem:$0x3FAA] =	sst s1  }
0xa: {  	[smem:$0x3FAB] =	sst s2  }
0xb: {  	[smem:$0x3FAC] =	sst s3  }
0xc: {  	[smem:$0x3FAD] =	sst s4  }
0xd: {  	[smem:$0x3FAE] =	sst s5  }
0xe: {  	[smem:$0x3FAF] =	sst s6  }
0xf: {  	[smem:$0x3FB0] =	sst s7  }
0x10: {  	[smem:$0x3FB1] =	sst s8  }
0x11: {  	[smem:$0x3FB2] =	sst s9;
	s0 =	simm.s32 @!p0 $0x0  }
0x12: {  	s1 =	sld [smem:$0x3F98];
	s0 =	simm.s32 @p0 $0x1  }
0x13: {  	[smem:$0x3FB3] =	sst s0;
	s0 =	simm.s32 @!p1 $0x0  }
0x14: {  	s2 =	sld [smem:$0x3F97];
	s0 =	simm.s32 @p1 $0x1  }
0x15: {  	[smem:$0x3FB4] =	sst s0;
	s0 =	simm.s32 @!p2 $0x0  }
0x16: {  	s3 =	sld [smem:$0x3FDB];
	s0 =	simm.s32 @p2 $0x1  }
0x17: {  	s4 =	simm.s32 $0x1BF5;
	[smem:$0x3FB6] =	sst s0  }
0x18: {  	s0 =	sld [smem:$0x3F99];
	_ =	swait.ge [sflag:s4], $0x0  }
0x19: {  	s7 =	sld [smem:$0x3F9A]  }
0x1a: {  	s8 =	sadd.s32 $0xFFFFE003, lr  }
0x1b: {  	s9 =	sadd.s32 $0xFFFFFEF7, lr;
	s5 =	simm.s32 $0xFFFFFFFF;
	p2 =	slt.u32 s8, $0xFFFFF086  }
0x1c: {  	p1 =	slt.u32 s9, $0xF7A;
	s5 =	simm.s32 @!p2 $0x0  }
0x1d: {  	s5 =	simm.s32 @p1 $0x1;
	p0 =	seq.s32 s7, s2  }
0x1e: {  	s7 =	smul.u32 @!p0 $0xF7A, s2;
	p2 =	seq.s32 @!p0 s5, $0x0  }
0x1f: {  	s9 =	smul.u32 $0xF7A, s1;
	s8 =	simm.s32 @!p0 $0x1BF5;
	p2 =	por !p2, p0  }
0x20: {  	[sflag:s8] =	ssyncset.s32 @!p0 $0xFFFFF086;
	s6 =	sadd.s32 @!p0 s3, s7;
	s7 =	simm.s32 @!p0 $0x108  }
0x21: {  	s3 =	sadd.s32 s3, s9;
	s6 =	sadd.s32 @!p0 $0x88, s6;
	s7 =	simm.s32 @p2 $0x1082  }
0x22: {  	[simem:s7], [sflag:s8] =	dma.local @!p0 [hbm:s6], $0xF7A  }
0x23: {  	s9 =	sor.u32 $0xD0000000, s2;
	s6 =	simm.s32 $0x108;
	_ =	swait.ge @!p0 [sflag:s8], $0x0  }
0x24: {  	s3 =	sadd.s32 $0x88, s3;
	s6 =	simm.s32 @!p1 $0x1082;
	[sflag:s4] =	ssyncset.s32 $0xFFFFF086  }
0x25: {  	[simem:s6], [sflag:s4] =	dma.local [hbm:s3], $0xF7A  }
0x26: {  	[smem:$0x3F9A] =	sst s1;
	(tag) =	ssettag s2;
	_ =	strace s9  }
0x27: {  	s1 =	sld [smem:$0x3FAA]  }
0x28: {  	s2 =	sld [smem:$0x3FAB]  }
0x29: {  	s4 =	sld [smem:$0x3FAD]  }
0x2a: {  	p0 =	seq.s32 s5, $0x0;
	s5 =	sld [smem:$0x3FAE]  }
0x2b: {  	s6 =	sld [smem:$0x3FAF]  }
0x2c: {  	s7 =	sld [smem:$0x3FB0]  }
0x2d: {  	s3 =	simm.s32 $0x108;
	s8 =	sld [smem:$0x3FB1]  }
0x2e: {  	s3 =	simm.s32 @!p0 $0x1082;
	s9 =	sld [smem:$0x3FB2]  }
0x2f: {  	lr =	sadd.s32 s0, s3;
	s0 =	sld [smem:$0x3FA9]  }
0x30: {  	s3 =	sld [smem:$0x3FAC]  }
0x31: {  	[smem:$0x3FB5] =	sst s10  }
0x32: {  	s10 =	sld [smem:$0x3FB3];
	_ =	sdelay $0x3  }
0x33: {  	p0 =	seq.s32 s10, $0x1;
	s10 =	sld [smem:$0x3FB5];
	_ =	sdelay $0x3  }
0x34: {  	[smem:$0x3FB5] =	sst s10  }
0x35: {  	s10 =	sld [smem:$0x3FB4];
	_ =	sdelay $0x3  }
0x36: {  	p1 =	seq.s32 s10, $0x1;
	s10 =	sld [smem:$0x3FB5];
	_ =	sdelay $0x3  }
0x37: {  	[smem:$0x3FB5] =	sst s10  }
0x38: {  	s10 =	sld [smem:$0x3FB6]  }
0x39: {  	_ = 	snop;
	(pc) =	sbr.ind lr, $3  }
0x3a: {  	_ = 	snop  }
0x3b: {  	_ = 	snop  }
0x3c: {  	p2 =	seq.s32 s10, $0x1;
	s10 =	sld [smem:$0x3FB5]  }
0x3d: {  	_ =	shalt  }
0x3e: {  	_ =	shalt  }
0x3f: {  	_ =	shalt  }
0x40: {  	_ =	shalt  }
0x41: {  	_ =	shalt  }
0x42: {  	_ =	shalt  }
0x43: {  	_ =	shalt  }
0x44: {  	_ =	shalt  }
0x45: {  	_ =	shalt  }
0x46: {  	_ =	shalt  }
0x47: {  	_ =	shalt  }
0x48: {  	_ =	shalt  }
0x49: {  	_ =	shalt  }
0x4a: {  	_ =	shalt  }
0x4b: {  	_ =	shalt  }
0x4c: {  	_ =	shalt  }
0x4d: {  	_ =	shalt  }
0x4e: {  	_ =	shalt  }
0x4f: {  	_ =	shalt  }
0x50: {  	_ =	shalt  }
0x51: {  	_ =	shalt  }
0x52: {  	_ =	shalt  }
0x53: {  	_ =	shalt  }
0x54: {  	_ =	shalt  }
0x55: {  	_ =	shalt  }
0x56: {  	_ =	shalt  }
0x57: {  	_ =	shalt  }
0x58: {  	_ =	shalt  }
0x59: {  	_ =	shalt  }
0x5a: {  	_ =	shalt  }
0x5b: {  	_ =	shalt  }
0x5c: {  	_ =	shalt  }
0x5d: {  	_ =	shalt  }
0x5e: {  	_ =	shalt  }
0x5f: {  	_ =	shalt  }
0x60: {  	_ =	shalt  }
0x61: {  	_ =	shalt  }
0x62: {  	_ =	shalt  }
0x63: {  	_ =	shalt  }
0x64: {  	_ =	shalt  }
0x65: {  	_ =	shalt  }
0x66: {  	_ =	shalt  }
0x67: {  	_ =	shalt  }
0x68: {  	_ =	shalt  }
0x69: {  	_ =	shalt  }
0x6a: {  	_ =	shalt  }
0x6b: {  	_ =	shalt  }
0x6c: {  	_ =	shalt  }
0x6d: {  	_ =	shalt  }
0x6e: {  	_ =	shalt  }
0x6f: {  	_ =	shalt  }
0x70: {  	_ =	shalt  }
0x71: {  	_ =	shalt  }
0x72: {  	_ =	shalt  }
0x73: {  	_ =	shalt  }
0x74: {  	_ =	shalt  }
0x75: {  	_ =	shalt  }
0x76: {  	_ =	shalt  }
0x77: {  	_ =	shalt  }
0x78: {  	_ =	shalt  }
0x79: {  	_ =	shalt  }
0x7a: {  	_ =	shalt  }
0x7b: {  	_ =	shalt  }
0x7c: {  	_ =	shalt  }
0x7d: {  	_ =	shalt  }
0x7e: {  	_ =	shalt  }
0x7f: {  	_ =	shalt  }
0x80: {  	_ =	shalt  }
0x81: {  	_ =	shalt  }
0x82: {  	_ =	shalt  }
0x83: {  	_ =	shalt  }
0x84: {  	_ =	shalt  }
0x85: {  	_ =	shalt  }
0x86: {  	_ =	shalt  }
0x87: {  	_ =	shalt  }
.Lfunc_end0:
.L_simem_size_0:
called_computation.3_lowered:
.L_overlay_start_0:
0x88: {  	s2 =	sld [smem:$0x3FD9]  }
0x89: {  	s3 =	sld [smem:$0x3FFE];
	_ =	sdelay $0x1  }
0x8a: {  	s1 =	srdreg.scid  }
0x8b: {  	s0 =	sand.u32 $0x1, s1  }
0x8c: {  	s16 =	sshll.u32 s0, $0xA;
	s2 =	sadd.s32 s3, s2  }
0x8d: {  	s2 =	sadd.s32 s2, s16  }
0x8e: {  	[smem:$0x3FC1] =	sst s2  }
0x8f: {  	_ = 	snop  }
0x90: {  	(tm) =	ssettm $0x1  }
0x91: {  	s17 =	sld [smem:$0x3FFB];
	_ =	sdelay $0x3  }
0x92: {  	_ =	strace s17  }
0x93: {  	s2 =	sld [smem:$0x3FFC];
	_ =	sdelay $0x3  }
0x94: {  	_ =	strace s2  }
0x95: {  	s2 =	sld [smem:$0x3FFD];
	_ =	sdelay $0x3  }
0x96: {  	_ =	strace s2  }
0x97: {  	_ =	strace $0x8FFFFFFF  }
0x98: {  	s18 =	sld [smem:$0x3FDB];
	_ =	sdelay $0x1  }
0x99: {  	s19 =	simm.s32 $_scs_section_size  }
0x9a: {  	s4 =	simm.s32 $_size__tile_overlayer_lowered;
	s5 =	simm.s32 $_tile_overlayer_lowered  }
0x9b: {  	s22 =	simm.s32 $0x1BFF;
	s21 =	sshll.u32 s5, $0x1;
	s2 =	sadd.s32 s19, s18  }
0x9c: {  	s6 =	simm.s32 $0x0;
	s20 =	sshll.u32 s4, $0x1;
	s4 =	sadd.s32 s21, s2  }
0x9d: {  	[timem:s6], [sflag:s22] =	dma.local [hbm:s4], s20  }
0x9e: {  	_ =	swait.ge [sflag:s22], s20  }
0x9f: {  	s3 =	ssub.s32 $0x0, s20;
	[sflag:s22] =	ssyncset.done $0x0  }
0xa0: {  	[sflag:s22] =	ssyncadd.s32 s3;
	_ =	sdelay $0x1  }
0xa1: {  	s23 =	simm.s32 $0x1B8B  }
0xa2: {  	_ =	swait.ge [sflag:s23], $0x1  }
0xa3: {  	[sflag:s23] =	ssyncset.done $0x0  }
0xa4: {  	s25 =	simm.s32 $0x1B8E;
	s24 =	sld [smem:$0x3FFE];
	[sflag:s23] =	ssyncadd.s32 $0xFFFFFFFF  }
0xa5: {  	s26 =	simm.s32 $execute0_lowered;
	[smem:$0x3FD2] =	sst s25  }
0xa6: {  	s4 =	sshll.u32 s26, $0x1;
	_ =	strace $0x80000049;
	[dreg:$0x1] =	wrdreg $0xFFFFFFFF  }
0xa7: {  	s28 =	simm.s32 $_size_execute0_lowered;
	s2 =	sadd.s32 s2, s4;
	[dreg:$0x0] =	wrdreg $0x0  }
0xa8: {  	s4 =	sshll.u32 s28, $0x1;
	[dreg:$0x2] =	wrdreg s2  }
0xa9: {  	[dreg:$0x3] =	wrdreg s4  }
0xaa: {  	[dreg:$0x4] =	wrdreg $0xC0  }
0xab: {  	_ =	task [dreg:s6], $0x5FFFF  }
0xac: {  	[dreg:$0x1] =	wrdreg $0xFFFFFFFF  }
0xad: {  	[dreg:$0x0] =	wrdreg $0x60  }
0xae: {  	[dreg:$0x2] =	wrdreg s24  }
0xaf: {  	[dreg:$0x3] =	wrdreg $0xB  }
0xb0: {  	_ =	task.clear_ibuf [dreg:s6], $0x4FFFF;
	_ =	strace $0x90000049  }
0xb1: {  	s29 =	simm.s32 $0xB;
	_ =	strace $0x8000004B  }
0xb2: {  	_ =	swait.ge [sflag:s29], $0x1  }
0xb3: {  	[sflag:s29] =	ssyncadd.s32 $0xFFFFFFFF  }
0xb4: {  	_ =	strace $0x9000004B  }
0xb5: {  	_ =	sfence  }
0xb6: {  	s30 =	sld [smem:$0x0];
	_ =	sdelay $0x2  }
0xb7: {  	s31 =	sshll.u32 s1, $0xD;
	s1 =	sshrl.u32 s1, $0x2  }
0xb8: {  	s3 =	sand.u32 $0x4000, s31;
	s1 =	sadd.s32 s1, s30  }
0xb9: {  	s0 =	sor.u32 s3, s0;
	s1 =	sshll.u32 s1, $0x11  }
0xba: {  	s0 =	sor.u32 s1, s0  }
0xbb: {  	s0 =	sadd.s32 $0x8F2B, s0  }
0xbc: {  	[sflag:s0] =	ssyncadd.remote.s32 $0x1  }
0xbd: {  	_ =	sfence.sel $0xFFFF  }
0xbe: {  	[dreg:$0x0] =	wrdreg $0xFFFFFFFF;
	(pc) =	sbr.abs _section_cstart, $3  }
0xbf: {  	[dreg:$0x1] =	wrdreg $0xFFFFFFFF  }
0xc0: {  	_ =	task.clear_ibuf [dreg:s6], $0x2FFFF;
	_ =	strace $0x9FFFFFFF  }
0xc1: {  	(tm) =	ssettm $0x7FFFFFFF  }
tec
execute0_lowered:
.L_overlay_start_1:
0x0: {  	(tag) =	ssettag $0x1  }
0x1: {  	s6 =	rddreg [dreg:$0x0]  }
0x2: {  	s0 =	rddreg [dreg:$0x1]  }
0x3: {  	s3 =	srdreg.scid;
	s1 =	stileid.u32;
	s2 =	simm.s32 $0x0  }
0x4: {  	s12 =	simm.s32 $0x1900;
	s13 =	simm.s32 $0x80;
	s14 =	simm.s32 $0x1  }
0x5: {  	s15 =	simm.s32 $0x7200;
	s5 =	sand.u32 $0x1, s3;
	s30 =	sshll.u32 s1, $0x1  }
0x6: {  	s16 =	simm.s32 $0x0;
	[smem:$0x7FF] =	sst s2;
	s7 =	sor.u32 s5, s30  }
0x7: {  	s3 =	sadd.s32 $0x7E00, s6;
	s9 =	ssub.s32 $0x2, s5;
	s8 =	smul.u32 $0x320, s7  }
0x8: {  	s4 =	sadd.s32 $0x38BE00, s6;
	_ =	strace $0x8000004A;
	s31 =	sshrl.u32 s9, $0x1  }
0x9: {  	s5 =	sadd.s32 $0x12CE200, s6;
	s11 =	ssub.s32 s9, s31;
	s10 =	sadd.s32 s8, s6  }
0xa: {  	s6 =	smul.u32 $0x32, s7;
	s7 =	sadd.s32 $0x1A00, s10;
	s8 =	sadd.s32 $0x1F0400, s10  }
0xb: {  	s9 =	sadd.s32 $0x1F6800, s10;
	s10 =	smax.u32 s11, $0x1;
	s11 =	simm.s32 $0x2  }
.LBB2_1:
0xc: {  	[tilespmem:s2], [sflag:$0x2] =	stream.linear.gather [hbm4b:s7+s2], $0x1900, $0x38;
	[tilespmem:$0x8B00] =	vst v63  }
0xd: {  	_ =	swait.ge [sflag:s11], $0x1900  }
0xe: {  	[sflag:s11] =	ssyncset.done $0x0  }
0xf: {  	[sflag:s11] =	ssyncadd.s32 $0xFFFFE700  }
0x10: {  	[tilespmem:s12], [sflag:$0x2] =	stream.linear.gather [hbm4b:s8+s2], $0x1900, $0x38;
	[tilespmem:$0x8B00] =	vst v63  }
0x11: {  	_ =	swait.ge [sflag:s11], $0x1900  }
0x12: {  	[sflag:s11] =	ssyncset.done $0x0  }
0x13: {  	s17 =	simm.s32 $0x0;
	[sflag:s11] =	ssyncadd.s32 $0xFFFFE700  }
.LBB2_2:
0x14: {  	s19 =	sshll.u32 s17, $0x7;
	s18 =	simm.s32 $0x3200  }
0x15: {  	[tilespmem:s18], [sflag:$0x1] =	stream.indirect.gather [hbm4b:s4+s13], $0x80, s19, s13, $0xb8;
	[tilespmem:$0x8B00] =	vst v63  }
0x16: {  	s20 =	sadd.s32 $0x7200, s19;
	s19 =	sadd.s32 $0x1900, s19  }
0x17: {  	[tilespmem:s20], [sflag:$0x1] =	stream.indirect.gather [hbm4b:s3+s13], $0x1, s19, s13, $0xb8;
	[tilespmem:$0x8B00] =	vst v63  }
0x18: {  	_ =	swait.ge [sflag:s14], $0x4000  }
0x19: {  	[sflag:s14] =	ssyncset.done $0x0  }
0x1a: {  	s31 =	sadd.s32 s6, s17;
	[sflag:s14] =	ssyncadd.s32 $0xFFFFC000  }
0x1b: {  	s19 =	sshll.u32 s31, $0xB;
	_ =	swait.ge [sflag:s14], $0x80  }
0x1c: {  	s21 =	simm.s32 $0x3280;
	s19 =	sadd.s32 s5, s19;
	[sflag:s14] =	ssyncset.done $0x0  }
0x1d: {  	s20 =	simm.s32 $0x10;
	s22 =	sadd.s32 $0x0, s19;
	[sflag:s14] =	ssyncadd.s32 $0xFFFFFF80  }
.LBB2_3:
0x1e: {  	[hbm4b:s22+s2] =	stream.linear.scatter [tilespmem:s18], [sflag:$0x2], $0x20, $0x38;
	[tilespmem:$0x8B00] =	vst v63  }
0x1f: {  	s22 =	smov.u32 s20;
	s18 =	smov.u32 s21;
	p0 =	sne.s32 s20, $0x7F0  }
.Ltmp0:
0x20: {  	s20 =	sadd.s32 $0x10, s20;
	(pc) =	sbr.rel @p0 .LBB2_3-.Ltmp0, $2  }
0x21: {  	_ =	sdelay $0x2  }
0x22: {  	s21 =	sadd.s32 $0x80, s21;
	s22 =	sadd.s32 s22, s19  }
0x23: {  	s17 =	sadd.s32 $0x1, s17  }
0x24: {  	p0 =	sne.s32 s17, $0x32  }
.Ltmp1:
0x25: {  	_ = 	snop;
	(pc) =	sbr.rel @p0 .LBB2_2-.Ltmp1, $4  }
0x26: {  	[hbm4b:s22+s2] =	stream.linear.scatter [tilespmem:s18], [sflag:$0x2], $0x20, $0x38;
	[tilespmem:$0x8B00] =	vst v63  }
0x27: {  	_ =	swait.ge [sflag:s11], $0x1000  }
0x28: {  	[sflag:s11] =	ssyncset.done $0x0  }
0x29: {  	[sflag:s11] =	ssyncadd.s32 $0xFFFFF000  }
0x2a: {  	s16 =	sadd.s32 $0x1, s16  }
0x2b: {  	p0 =	sne.s32 s16, s10  }
.Ltmp2:
0x2c: {  	_ = 	snop;
	(pc) =	sbr.rel @p0 .LBB2_1-.Ltmp2, $4  }
0x2d: {  	[hbm4b:s9+s2] =	stream.linear.scatter [tilespmem:s15], [sflag:$0x2], $0x1900, $0x38;
	[tilespmem:$0x8B00] =	vst v63  }
0x2e: {  	_ =	swait.ge [sflag:s11], $0x1900  }
0x2f: {  	[sflag:s11] =	ssyncset.done $0x0  }
0x30: {  	[sflag:s11] =	ssyncadd.s32 $0xFFFFE700  }
0x31: {  	_ =	sfence.sel $0x180000  }
0x32: {  	[bflag:$0x0] =	sbarrier.arrive $0xFFFF  }
0x33: {  	p0 =	sne.s32 s1, $0x0;
	_ =	strace $0x9000004A  }
0x34: {  	s0 =	sadd.s32 @!p0 $0x100000, s0;
	[bflag:$0x2] =	sbarrier.arrive $0xFFFF  }
0x35: {  	[sflag:s0] =	ssyncadd.tile.s32 @!p0 $0x1;
	_ =	shalt  }
.Lfunc_end2:
_tile_overlayer_lowered:
.L_overlay_start_2:
0x36: {  	(tag) =	ssettag $0x2  }
0x37: {  	s0 =	rddreg [dreg:$0x0];
	s2 =	stileid.u32  }
0x38: {  	s1 =	rddreg [dreg:$0x1];
	p0 =	sne.s32 s2, $0x0  }
0x39: {  	s3 =	rddreg [dreg:$0x2];
	[bflag:$0x3] =	sbarrier.arrive $0xFFFF;
	s2 =	simm.s32 @!p0 $0x1C02  }
0x3a: {  	[timem:s3], [sflag:s2] =	dma.local @!p0 [hbm:s0], s1  }
0x3b: {  	s0 =	simm.s32 @!p0 $0x2  }
0x3c: {  	_ =	swait.ge @!p0 [sflag:s0], s1  }
0x3d: {  	s1 =	ssub.s32 @!p0 $0x0, s1;
	[sflag:s0] =	ssyncset.done @!p0 $0x0  }
0x3e: {  	[sflag:s0] =	ssyncadd.s32 @!p0 s1  }
0x3f: {  	[bflag:$0x3] =	sbarrier.arrive $0xFFFF  }
0x40: {  	_ =	shalt  }

// kernel: sc_gather_one.4.cloned.1.call-start
scs
__scs_entry_jumppad:
0x0: {  	(pc) =	sbr.rel $0x88, $3  }
0x1: {  	(tag) =	ssettag $0x0;
	lr =	simm.s32 $0x1  }
0x2: {  	[smem:$0x3F9A] =	sst lr;
	_ =	strace $0xD0000000  }
0x3: {  	_ = 	snop  }
0x4: {  	_ = 	snop  }
0x5: {  	_ = 	snop  }
0x6: {  	_ = 	snop  }
0x7: {  	_ = 	snop  }
__scs_overlays_trampoline_lowered:
0x8: {  	[smem:$0x3FA9] =	sst s0  }
0x9: {  	[smem:$0x3FAA] =	sst s1  }
0xa: {  	[smem:$0x3FAB] =	sst s2  }
0xb: {  	[smem:$0x3FAC] =	sst s3  }
0xc: {  	[smem:$0x3FAD] =	sst s4  }
0xd: {  	[smem:$0x3FAE] =	sst s5  }
0xe: {  	[smem:$0x3FAF] =	sst s6  }
0xf: {  	[smem:$0x3FB0] =	sst s7  }
0x10: {  	[smem:$0x3FB1] =	sst s8  }
0x11: {  	[smem:$0x3FB2] =	sst s9;
	s0 =	simm.s32 @!p0 $0x0  }
0x12: {  	s1 =	sld [smem:$0x3F98];
	s0 =	simm.s32 @p0 $0x1  }
0x13: {  	[smem:$0x3FB3] =	sst s0;
	s0 =	simm.s32 @!p1 $0x0  }
0x14: {  	s2 =	sld [smem:$0x3F97];
	s0 =	simm.s32 @p1 $0x1  }
0x15: {  	[smem:$0x3FB4] =	sst s0;
	s0 =	simm.s32 @!p2 $0x0  }
0x16: {  	s3 =	sld [smem:$0x3FDB];
	s0 =	simm.s32 @p2 $0x1  }
0x17: {  	s4 =	simm.s32 $0x1BF5;
	[smem:$0x3FB6] =	sst s0  }
0x18: {  	s0 =	sld [smem:$0x3F99];
	_ =	swait.ge [sflag:s4], $0x0  }
0x19: {  	s7 =	sld [smem:$0x3F9A]  }
0x1a: {  	s8 =	sadd.s32 $0xFFFFE003, lr  }
0x1b: {  	s9 =	sadd.s32 $0xFFFFFEF7, lr;
	s5 =	simm.s32 $0xFFFFFFFF;
	p2 =	slt.u32 s8, $0xFFFFF086  }
0x1c: {  	p1 =	slt.u32 s9, $0xF7A;
	s5 =	simm.s32 @!p2 $0x0  }
0x1d: {  	s5 =	simm.s32 @p1 $0x1;
	p0 =	seq.s32 s7, s2  }
0x1e: {  	s7 =	smul.u32 @!p0 $0xF7A, s2;
	p2 =	seq.s32 @!p0 s5, $0x0  }
0x1f: {  	s9 =	smul.u32 $0xF7A, s1;
	s8 =	simm.s32 @!p0 $0x1BF5;
	p2 =	por !p2, p0  }
0x20: {  	[sflag:s8] =	ssyncset.s32 @!p0 $0xFFFFF086;
	s6 =	sadd.s32 @!p0 s3, s7;
	s7 =	simm.s32 @!p0 $0x108  }
0x21: {  	s3 =	sadd.s32 s3, s9;
	s6 =	sadd.s32 @!p0 $0x88, s6;
	s7 =	simm.s32 @p2 $0x1082  }
0x22: {  	[simem:s7], [sflag:s8] =	dma.local @!p0 [hbm:s6], $0xF7A  }
0x23: {  	s9 =	sor.u32 $0xD0000000, s2;
	s6 =	simm.s32 $0x108;
	_ =	swait.ge @!p0 [sflag:s8], $0x0  }
0x24: {  	s3 =	sadd.s32 $0x88, s3;
	s6 =	simm.s32 @!p1 $0x1082;
	[sflag:s4] =	ssyncset.s32 $0xFFFFF086  }
0x25: {  	[simem:s6], [sflag:s4] =	dma.local [hbm:s3], $0xF7A  }
0x26: {  	[smem:$0x3F9A] =	sst s1;
	(tag) =	ssettag s2;
	_ =	strace s9  }
0x27: {  	s1 =	sld [smem:$0x3FAA]  }
0x28: {  	s2 =	sld [smem:$0x3FAB]  }
0x29: {  	s4 =	sld [smem:$0x3FAD]  }
0x2a: {  	p0 =	seq.s32 s5, $0x0;
	s5 =	sld [smem:$0x3FAE]  }
0x2b: {  	s6 =	sld [smem:$0x3FAF]  }
0x2c: {  	s7 =	sld [smem:$0x3FB0]  }
0x2d: {  	s3 =	simm.s32 $0x108;
	s8 =	sld [smem:$0x3FB1]  }
0x2e: {  	s3 =	simm.s32 @!p0 $0x1082;
	s9 =	sld [smem:$0x3FB2]  }
0x2f: {  	lr =	sadd.s32 s0, s3;
	s0 =	sld [smem:$0x3FA9]  }
0x30: {  	s3 =	sld [smem:$0x3FAC]  }
0x31: {  	[smem:$0x3FB5] =	sst s10  }
0x32: {  	s10 =	sld [smem:$0x3FB3];
	_ =	sdelay $0x3  }
0x33: {  	p0 =	seq.s32 s10, $0x1;
	s10 =	sld [smem:$0x3FB5];
	_ =	sdelay $0x3  }
0x34: {  	[smem:$0x3FB5] =	sst s10  }
0x35: {  	s10 =	sld [smem:$0x3FB4];
	_ =	sdelay $0x3  }
0x36: {  	p1 =	seq.s32 s10, $0x1;
	s10 =	sld [smem:$0x3FB5];
	_ =	sdelay $0x3  }
0x37: {  	[smem:$0x3FB5] =	sst s10  }
0x38: {  	s10 =	sld [smem:$0x3FB6]  }
0x39: {  	_ = 	snop;
	(pc) =	sbr.ind lr, $3  }
0x3a: {  	_ = 	snop  }
0x3b: {  	_ = 	snop  }
0x3c: {  	p2 =	seq.s32 s10, $0x1;
	s10 =	sld [smem:$0x3FB5]  }
0x3d: {  	_ =	shalt  }
0x3e: {  	_ =	shalt  }
0x3f: {  	_ =	shalt  }
0x40: {  	_ =	shalt  }
0x41: {  	_ =	shalt  }
0x42: {  	_ =	shalt  }
0x43: {  	_ =	shalt  }
0x44: {  	_ =	shalt  }
0x45: {  	_ =	shalt  }
0x46: {  	_ =	shalt  }
0x47: {  	_ =	shalt  }
0x48: {  	_ =	shalt  }
0x49: {  	_ =	shalt  }
0x4a: {  	_ =	shalt  }
0x4b: {  	_ =	shalt  }
0x4c: {  	_ =	shalt  }
0x4d: {  	_ =	shalt  }
0x4e: {  	_ =	shalt  }
0x4f: {  	_ =	shalt  }
0x50: {  	_ =	shalt  }
0x51: {  	_ =	shalt  }
0x52: {  	_ =	shalt  }
0x53: {  	_ =	shalt  }
0x54: {  	_ =	shalt  }
0x55: {  	_ =	shalt  }
0x56: {  	_ =	shalt  }
0x57: {  	_ =	shalt  }
0x58: {  	_ =	shalt  }
0x59: {  	_ =	shalt  }
0x5a: {  	_ =	shalt  }
0x5b: {  	_ =	shalt  }
0x5c: {  	_ =	shalt  }
0x5d: {  	_ =	shalt  }
0x5e: {  	_ =	shalt  }
0x5f: {  	_ =	shalt  }
0x60: {  	_ =	shalt  }
0x61: {  	_ =	shalt  }
0x62: {  	_ =	shalt  }
0x63: {  	_ =	shalt  }
0x64: {  	_ =	shalt  }
0x65: {  	_ =	shalt  }
0x66: {  	_ =	shalt  }
0x67: {  	_ =	shalt  }
0x68: {  	_ =	shalt  }
0x69: {  	_ =	shalt  }
0x6a: {  	_ =	shalt  }
0x6b: {  	_ =	shalt  }
0x6c: {  	_ =	shalt  }
0x6d: {  	_ =	shalt  }
0x6e: {  	_ =	shalt  }
0x6f: {  	_ =	shalt  }
0x70: {  	_ =	shalt  }
0x71: {  	_ =	shalt  }
0x72: {  	_ =	shalt  }
0x73: {  	_ =	shalt  }
0x74: {  	_ =	shalt  }
0x75: {  	_ =	shalt  }
0x76: {  	_ =	shalt  }
0x77: {  	_ =	shalt  }
0x78: {  	_ =	shalt  }
0x79: {  	_ =	shalt  }
0x7a: {  	_ =	shalt  }
0x7b: {  	_ =	shalt  }
0x7c: {  	_ =	shalt  }
0x7d: {  	_ =	shalt  }
0x7e: {  	_ =	shalt  }
0x7f: {  	_ =	shalt  }
0x80: {  	_ =	shalt  }
0x81: {  	_ =	shalt  }
0x82: {  	_ =	shalt  }
0x83: {  	_ =	shalt  }
0x84: {  	_ =	shalt  }
0x85: {  	_ =	shalt  }
0x86: {  	_ =	shalt  }
0x87: {  	_ =	shalt  }
.Lfunc_end0:
.L_simem_size_0:
called_computation.1_lowered:
.L_overlay_start_0:
0x88: {  	s2 =	sld [smem:$0x3FD9]  }
0x89: {  	s3 =	sld [smem:$0x3FFE];
	_ =	sdelay $0x1  }
0x8a: {  	s1 =	srdreg.scid  }
0x8b: {  	s0 =	sand.u32 $0x1, s1  }
0x8c: {  	s17 =	sshll.u32 s0, $0xA;
	s2 =	sadd.s32 s3, s2  }
0x8d: {  	s2 =	sadd.s32 s2, s17  }
0x8e: {  	[smem:$0x3FC1] =	sst s2  }
0x8f: {  	_ = 	snop  }
0x90: {  	(tm) =	ssettm $0x1  }
0x91: {  	s18 =	sld [smem:$0x3FFB];
	_ =	sdelay $0x3  }
0x92: {  	_ =	strace s18  }
0x93: {  	s2 =	sld [smem:$0x3FFC];
	_ =	sdelay $0x3  }
0x94: {  	_ =	strace s2  }
0x95: {  	s2 =	sld [smem:$0x3FFD];
	_ =	sdelay $0x3  }
0x96: {  	_ =	strace s2  }
0x97: {  	_ =	strace $0x8FFFFFFF  }
0x98: {  	s19 =	sld [smem:$0x3FDB];
	_ =	sdelay $0x1  }
0x99: {  	s20 =	simm.s32 $_scs_section_size  }
0x9a: {  	s4 =	simm.s32 $_size__tile_overlayer_lowered;
	s5 =	simm.s32 $_tile_overlayer_lowered  }
0x9b: {  	s6 =	simm.s32 $0x1BFF;
	s21 =	sshll.u32 s5, $0x1;
	s3 =	sadd.s32 s20, s19  }
0x9c: {  	s22 =	simm.s32 $0x0;
	s4 =	sshll.u32 s4, $0x1;
	s5 =	sadd.s32 s21, s3  }
0x9d: {  	[timem:s22], [sflag:s6] =	dma.local [hbm:s5], s4  }
0x9e: {  	_ =	swait.ge [sflag:s6], s4  }
0x9f: {  	s4 =	ssub.s32 $0x0, s4;
	[sflag:s6] =	ssyncset.done $0x0  }
0xa0: {  	[sflag:s6] =	ssyncadd.s32 s4;
	_ =	sdelay $0x1  }
0xa1: {  	s23 =	simm.s32 $0x1B8B  }
0xa2: {  	_ =	swait.ge [sflag:s23], $0x1  }
0xa3: {  	[sflag:s23] =	ssyncset.done $0x0  }
0xa4: {  	[sflag:s23] =	ssyncadd.s32 $0xFFFFFFFF  }
0xa5: {  	s4 =	sld [smem:$0x0]  }
0xa6: {  	s5 =	sand.u32 $0xFFFFFFFE, s1  }
0xa7: {  	p0 =	sne.s32 s1, s5  }
0xa8: {  	s5 =	sshll.u32 @p0 s5, $0xE  }
0xa9: {  	s5 =	sadd.s32 @p0 $0x11B8D, s5;
	s6 =	sshll.u32 @p0 s4, $0x11  }
0xaa: {  	s5 =	sor.u32 @p0 s6, s5  }
0xab: {  	[sflag:s5] =	ssyncadd.remote.s32 @p0 $0x1;
	_ =	sdelay $0x1  }
0xac: {  	s5 =	simm.s32 @p0 $0x1B8D  }
0xad: {  	_ =	swait.eq @p0 [sflag:s5], $0x1  }
0xae: {  	[sflag:s5] =	ssyncadd.s32 @p0 $0xFFFFFFFF  }
0xaf: {  	s6 =	sshll.u32 @!p0 s1, $0xE  }
0xb0: {  	s6 =	sor.u32 @!p0 $0x4000, s6;
	s5 =	simm.s32 @!p0 $0x1B8D  }
0xb1: {  	s4 =	sshll.u32 @!p0 s4, $0x11;
	s6 =	sadd.s32 @!p0 $0x11B8D, s6;
	_ =	swait.eq @!p0 [sflag:s5], $0x1  }
0xb2: {  	s4 =	sor.u32 @!p0 s4, s6;
	[sflag:s5] =	ssyncadd.s32 @!p0 $0xFFFFFFFF  }
0xb3: {  	s25 =	simm.s32 $0x1B8E;
	s24 =	sld [smem:$0x3FFE];
	[sflag:s4] =	ssyncadd.remote.s32 @!p0 $0x1  }
0xb4: {  	s26 =	simm.s32 $execute0_lowered;
	[smem:$0x3FD2] =	sst s25  }
0xb5: {  	s5 =	sshll.u32 s26, $0x1;
	_ =	strace $0x8000004F;
	[dreg:$0x1] =	wrdreg $0xFFFFFFFF  }
0xb6: {  	s28 =	simm.s32 $_size_execute0_lowered;
	s3 =	sadd.s32 s3, s5;
	[dreg:$0x0] =	wrdreg $0x0  }
0xb7: {  	s5 =	sshll.u32 s28, $0x1;
	[dreg:$0x2] =	wrdreg s3  }
0xb8: {  	[dreg:$0x3] =	wrdreg s5  }
0xb9: {  	[dreg:$0x4] =	wrdreg $0xC0  }
0xba: {  	_ =	task [dreg:s22], $0x5FFFF  }
0xbb: {  	[dreg:$0x1] =	wrdreg $0xFFFFFFFF  }
0xbc: {  	[dreg:$0x0] =	wrdreg $0x60  }
0xbd: {  	[dreg:$0x2] =	wrdreg s24  }
0xbe: {  	[dreg:$0x3] =	wrdreg $0x9  }
0xbf: {  	_ =	task.clear_ibuf [dreg:s22], $0x4FFFF;
	_ =	strace $0x9000004F  }
0xc0: {  	s29 =	simm.s32 $0x9;
	_ =	strace $0x80000051  }
0xc1: {  	_ =	swait.ge [sflag:s29], $0x1  }
0xc2: {  	[sflag:s29] =	ssyncadd.s32 $0xFFFFFFFF  }
0xc3: {  	_ =	strace $0x90000051  }
0xc4: {  	_ =	sfence  }
0xc5: {  	s30 =	sld [smem:$0x0];
	_ =	sdelay $0x2  }
0xc6: {  	s31 =	sshll.u32 s1, $0xD;
	s1 =	sshrl.u32 s1, $0x2  }
0xc7: {  	s4 =	sand.u32 $0x4000, s31;
	s1 =	sadd.s32 s1, s30  }
0xc8: {  	s0 =	sor.u32 s4, s0;
	s1 =	sshll.u32 s1, $0x11  }
0xc9: {  	s0 =	sor.u32 s1, s0  }
0xca: {  	s0 =	sadd.s32 $0x8F2B, s0  }
0xcb: {  	[sflag:s0] =	ssyncadd.remote.s32 $0x1  }
0xcc: {  	_ =	sfence.sel $0xFFFF  }
0xcd: {  	[dreg:$0x0] =	wrdreg $0xFFFFFFFF;
	(pc) =	sbr.abs _section_cstart, $3  }
0xce: {  	[dreg:$0x1] =	wrdreg $0xFFFFFFFF  }
0xcf: {  	_ =	task.clear_ibuf [dreg:s22], $0x2FFFF;
	_ =	strace $0x9FFFFFFF  }
0xd0: {  	(tm) =	ssettm $0x7FFFFFFF  }
0xd1: {  	_ =	shalt  }
tec
execute0_lowered:
.L_overlay_start_1:
0x0: {  	(tag) =	ssettag $0x1  }
0x1: {  	s1 =	srdreg.scid  }
0x2: {  	s0 =	stileid.u32;
	s4 =	rddreg [dreg:$0x0]  }
0x3: {  	s2 =	simm.s32 $0x0;
	s9 =	simm.s32 $0x80;
	s10 =	simm.s32 $0x1  }
0x4: {  	s3 =	sand.u32 $0x1, s1;
	s5 =	sshll.u32 s0, $0x1;
	s1 =	rddreg [dreg:$0x1]  }
0x5: {  	s11 =	simm.s32 $0x0;
	[smem:$0x7FF] =	sst s2;
	s5 =	sor.u32 s3, s5  }
0x6: {  	_ =	strace $0x80000050;
	s7 =	ssub.s32 $0x2, s3;
	s6 =	smul.u32 $0x320, s5  }
0x7: {  	s3 =	sadd.s32 $0x2850600, s4;
	s8 =	sshrl.u32 s7, $0x1;
	s5 =	smul.u32 $0x32, s5  }
0x8: {  	s7 =	ssub.s32 s7, s8;
	s8 =	simm.s32 $0x2;
	s6 =	sadd.s32 s6, s4  }
0x9: {  	s4 =	sadd.s32 $0x3792A00, s4;
	s7 =	smax.u32 s7, $0x1;
	s6 =	sadd.s32 $0x1FCC00, s6  }
.LBB2_1:
0xa: {  	[tilespmem:s2], [sflag:$0x2] =	stream.linear.gather [hbm4b:s6+s2], $0x1900, $0x38;
	[tilespmem:$0x5900] =	vst v63  }
0xb: {  	_ =	swait.ge [sflag:s8], $0x1900  }
0xc: {  	[sflag:s8] =	ssyncset.done $0x0  }
0xd: {  	s12 =	simm.s32 $0x0;
	[sflag:s8] =	ssyncadd.s32 $0xFFFFE700  }
.LBB2_2:
0xe: {  	s13 =	sshll.u32 s12, $0x7  }
0xf: {  	s31 =	sadd.s32 s5, s12;
	s14 =	sand.u32 $0x3FFFFF80, s13;
	s13 =	simm.s32 $0x1900  }
0x10: {  	[tilespmem:s13], [sflag:$0x1] =	stream.indirect.gather [hbm4b:s3+s9], $0x80, s14, s9, $0xb8;
	[tilespmem:$0x5900] =	vst v63  }
0x11: {  	s14 =	sshll.u32 s31, $0xB;
	_ =	swait.ge [sflag:s10], $0x4000  }
0x12: {  	s15 =	simm.s32 $0x10;
	s14 =	sadd.s32 s4, s14;
	[sflag:s10] =	ssyncset.done $0x0  }
0x13: {  	s16 =	simm.s32 $0x1980;
	s17 =	sadd.s32 $0x0, s14;
	[sflag:s10] =	ssyncadd.s32 $0xFFFFC000  }
.LBB2_3:
0x14: {  	[hbm4b:s17+s2] =	stream.linear.scatter [tilespmem:s13], [sflag:$0x2], $0x20, $0x38;
	[tilespmem:$0x5900] =	vst v63  }
0x15: {  	s17 =	smov.u32 s15;
	s13 =	smov.u32 s16;
	p0 =	sne.s32 s15, $0x7F0  }
.Ltmp0:
0x16: {  	s15 =	sadd.s32 $0x10, s15;
	(pc) =	sbr.rel @p0 .LBB2_3-.Ltmp0, $2  }
0x17: {  	_ =	sdelay $0x2  }
0x18: {  	s16 =	sadd.s32 $0x80, s16;
	s17 =	sadd.s32 s17, s14  }
0x19: {  	s12 =	sadd.s32 $0x1, s12  }
0x1a: {  	p0 =	sne.s32 s12, $0x32  }
.Ltmp1:
0x1b: {  	_ = 	snop;
	(pc) =	sbr.rel @p0 .LBB2_2-.Ltmp1, $4  }
0x1c: {  	[hbm4b:s17+s2] =	stream.linear.scatter [tilespmem:s13], [sflag:$0x2], $0x20, $0x38;
	[tilespmem:$0x5900] =	vst v63  }
0x1d: {  	_ =	swait.ge [sflag:s8], $0x1000  }
0x1e: {  	[sflag:s8] =	ssyncset.done $0x0  }
0x1f: {  	[sflag:s8] =	ssyncadd.s32 $0xFFFFF000  }
0x20: {  	s11 =	sadd.s32 $0x1, s11  }
0x21: {  	p0 =	sne.s32 s11, s7  }
.Ltmp2:
0x22: {  	_ = 	snop;
	(pc) =	sbr.rel @p0 .LBB2_1-.Ltmp2, $1  }
0x23: {  	_ =	sdelay $0x3  }
0x24: {  	_ =	sfence.sel $0x180000  }
0x25: {  	[bflag:$0x0] =	sbarrier.arrive $0xFFFF  }
0x26: {  	p0 =	sne.s32 s0, $0x0;
	_ =	strace $0x90000050  }
0x27: {  	s0 =	sadd.s32 @!p0 $0x100000, s1;
	[bflag:$0x2] =	sbarrier.arrive $0xFFFF  }
0x28: {  	[sflag:s0] =	ssyncadd.tile.s32 @!p0 $0x1;
	_ =	shalt  }
.Lfunc_end2:
_tile_overlayer_lowered:
.L_overlay_start_2:
0x29: {  	(tag) =	ssettag $0x2  }
0x2a: {  	s0 =	rddreg [dreg:$0x0];
	s2 =	stileid.u32  }
0x2b: {  	s1 =	rddreg [dreg:$0x1];
	p0 =	sne.s32 s2, $0x0  }
0x2c: {  	s3 =	rddreg [dreg:$0x2];
	[bflag:$0x3] =	sbarrier.arrive $0xFFFF;
	s2 =	simm.s32 @!p0 $0x1C02  }
0x2d: {  	[timem:s3], [sflag:s2] =	dma.local @!p0 [hbm:s0], s1  }
0x2e: {  	s0 =	simm.s32 @!p0 $0x2  }
0x2f: {  	_ =	swait.ge @!p0 [sflag:s0], s1  }
0x30: {  	s1 =	ssub.s32 @!p0 $0x0, s1;
	[sflag:s0] =	ssyncset.done @!p0 $0x0  }
0x31: {  	[sflag:s0] =	ssyncadd.s32 @!p0 s1  }
0x32: {  	[bflag:$0x3] =	sbarrier.arrive $0xFFFF  }
0x33: {  	_ =	shalt  }

// kernel: sc_gather_one.7.cloned.1.call-start
scs
__scs_entry_jumppad:
0x0: {  	(pc) =	sbr.rel $0x88, $3  }
0x1: {  	(tag) =	ssettag $0x0;
	lr =	simm.s32 $0x1  }
0x2: {  	[smem:$0x3F9A] =	sst lr;
	_ =	strace $0xD0000000  }
0x3: {  	_ = 	snop  }
0x4: {  	_ = 	snop  }
0x5: {  	_ = 	snop  }
0x6: {  	_ = 	snop  }
0x7: {  	_ = 	snop  }
__scs_overlays_trampoline_lowered:
0x8: {  	[smem:$0x3FA9] =	sst s0  }
0x9: {  	[smem:$0x3FAA] =	sst s1  }
0xa: {  	[smem:$0x3FAB] =	sst s2  }
0xb: {  	[smem:$0x3FAC] =	sst s3  }
0xc: {  	[smem:$0x3FAD] =	sst s4  }
0xd: {  	[smem:$0x3FAE] =	sst s5  }
0xe: {  	[smem:$0x3FAF] =	sst s6  }
0xf: {  	[smem:$0x3FB0] =	sst s7  }
0x10: {  	[smem:$0x3FB1] =	sst s8  }
0x11: {  	[smem:$0x3FB2] =	sst s9;
	s0 =	simm.s32 @!p0 $0x0  }
0x12: {  	s1 =	sld [smem:$0x3F98];
	s0 =	simm.s32 @p0 $0x1  }
0x13: {  	[smem:$0x3FB3] =	sst s0;
	s0 =	simm.s32 @!p1 $0x0  }
0x14: {  	s2 =	sld [smem:$0x3F97];
	s0 =	simm.s32 @p1 $0x1  }
0x15: {  	[smem:$0x3FB4] =	sst s0;
	s0 =	simm.s32 @!p2 $0x0  }
0x16: {  	s3 =	sld [smem:$0x3FDB];
	s0 =	simm.s32 @p2 $0x1  }
0x17: {  	s4 =	simm.s32 $0x1BF5;
	[smem:$0x3FB6] =	sst s0  }
0x18: {  	s0 =	sld [smem:$0x3F99];
	_ =	swait.ge [sflag:s4], $0x0  }
0x19: {  	s7 =	sld [smem:$0x3F9A]  }
0x1a: {  	s8 =	sadd.s32 $0xFFFFE003, lr  }
0x1b: {  	s9 =	sadd.s32 $0xFFFFFEF7, lr;
	s5 =	simm.s32 $0xFFFFFFFF;
	p2 =	slt.u32 s8, $0xFFFFF086  }
0x1c: {  	p1 =	slt.u32 s9, $0xF7A;
	s5 =	simm.s32 @!p2 $0x0  }
0x1d: {  	s5 =	simm.s32 @p1 $0x1;
	p0 =	seq.s32 s7, s2  }
0x1e: {  	s7 =	smul.u32 @!p0 $0xF7A, s2;
	p2 =	seq.s32 @!p0 s5, $0x0  }
0x1f: {  	s9 =	smul.u32 $0xF7A, s1;
	s8 =	simm.s32 @!p0 $0x1BF5;
	p2 =	por !p2, p0  }
0x20: {  	[sflag:s8] =	ssyncset.s32 @!p0 $0xFFFFF086;
	s6 =	sadd.s32 @!p0 s3, s7;
	s7 =	simm.s32 @!p0 $0x108  }
0x21: {  	s3 =	sadd.s32 s3, s9;
	s6 =	sadd.s32 @!p0 $0x88, s6;
	s7 =	simm.s32 @p2 $0x1082  }
0x22: {  	[simem:s7], [sflag:s8] =	dma.local @!p0 [hbm:s6], $0xF7A  }
0x23: {  	s9 =	sor.u32 $0xD0000000, s2;
	s6 =	simm.s32 $0x108;
	_ =	swait.ge @!p0 [sflag:s8], $0x0  }
0x24: {  	s3 =	sadd.s32 $0x88, s3;
	s6 =	simm.s32 @!p1 $0x1082;
	[sflag:s4] =	ssyncset.s32 $0xFFFFF086  }
0x25: {  	[simem:s6], [sflag:s4] =	dma.local [hbm:s3], $0xF7A  }
0x26: {  	[smem:$0x3F9A] =	sst s1;
	(tag) =	ssettag s2;
	_ =	strace s9  }
0x27: {  	s1 =	sld [smem:$0x3FAA]  }
0x28: {  	s2 =	sld [smem:$0x3FAB]  }
0x29: {  	s4 =	sld [smem:$0x3FAD]  }
0x2a: {  	p0 =	seq.s32 s5, $0x0;
	s5 =	sld [smem:$0x3FAE]  }
0x2b: {  	s6 =	sld [smem:$0x3FAF]  }
0x2c: {  	s7 =	sld [smem:$0x3FB0]  }
0x2d: {  	s3 =	simm.s32 $0x108;
	s8 =	sld [smem:$0x3FB1]  }
0x2e: {  	s3 =	simm.s32 @!p0 $0x1082;
	s9 =	sld [smem:$0x3FB2]  }
0x2f: {  	lr =	sadd.s32 s0, s3;
	s0 =	sld [smem:$0x3FA9]  }
0x30: {  	s3 =	sld [smem:$0x3FAC]  }
0x31: {  	[smem:$0x3FB5] =	sst s10  }
0x32: {  	s10 =	sld [smem:$0x3FB3];
	_ =	sdelay $0x3  }
0x33: {  	p0 =	seq.s32 s10, $0x1;
	s10 =	sld [smem:$0x3FB5];
	_ =	sdelay $0x3  }
0x34: {  	[smem:$0x3FB5] =	sst s10  }
0x35: {  	s10 =	sld [smem:$0x3FB4];
	_ =	sdelay $0x3  }
0x36: {  	p1 =	seq.s32 s10, $0x1;
	s10 =	sld [smem:$0x3FB5];
	_ =	sdelay $0x3  }
0x37: {  	[smem:$0x3FB5] =	sst s10  }
0x38: {  	s10 =	sld [smem:$0x3FB6]  }
0x39: {  	_ = 	snop;
	(pc) =	sbr.ind lr, $3  }
0x3a: {  	_ = 	snop  }
0x3b: {  	_ = 	snop  }
0x3c: {  	p2 =	seq.s32 s10, $0x1;
	s10 =	sld [smem:$0x3FB5]  }
0x3d: {  	_ =	shalt  }
0x3e: {  	_ =	shalt  }
0x3f: {  	_ =	shalt  }
0x40: {  	_ =	shalt  }
0x41: {  	_ =	shalt  }
0x42: {  	_ =	shalt  }
0x43: {  	_ =	shalt  }
0x44: {  	_ =	shalt  }
0x45: {  	_ =	shalt  }
0x46: {  	_ =	shalt  }
0x47: {  	_ =	shalt  }
0x48: {  	_ =	shalt  }
0x49: {  	_ =	shalt  }
0x4a: {  	_ =	shalt  }
0x4b: {  	_ =	shalt  }
0x4c: {  	_ =	shalt  }
0x4d: {  	_ =	shalt  }
0x4e: {  	_ =	shalt  }
0x4f: {  	_ =	shalt  }
0x50: {  	_ =	shalt  }
0x51: {  	_ =	shalt  }
0x52: {  	_ =	shalt  }
0x53: {  	_ =	shalt  }
0x54: {  	_ =	shalt  }
0x55: {  	_ =	shalt  }
0x56: {  	_ =	shalt  }
0x57: {  	_ =	shalt  }
0x58: {  	_ =	shalt  }
0x59: {  	_ =	shalt  }
0x5a: {  	_ =	shalt  }
0x5b: {  	_ =	shalt  }
0x5c: {  	_ =	shalt  }
0x5d: {  	_ =	shalt  }
0x5e: {  	_ =	shalt  }
0x5f: {  	_ =	shalt  }
0x60: {  	_ =	shalt  }
0x61: {  	_ =	shalt  }
0x62: {  	_ =	shalt  }
0x63: {  	_ =	shalt  }
0x64: {  	_ =	shalt  }
0x65: {  	_ =	shalt  }
0x66: {  	_ =	shalt  }
0x67: {  	_ =	shalt  }
0x68: {  	_ =	shalt  }
0x69: {  	_ =	shalt  }
0x6a: {  	_ =	shalt  }
0x6b: {  	_ =	shalt  }
0x6c: {  	_ =	shalt  }
0x6d: {  	_ =	shalt  }
0x6e: {  	_ =	shalt  }
0x6f: {  	_ =	shalt  }
0x70: {  	_ =	shalt  }
0x71: {  	_ =	shalt  }
0x72: {  	_ =	shalt  }
0x73: {  	_ =	shalt  }
0x74: {  	_ =	shalt  }
0x75: {  	_ =	shalt  }
0x76: {  	_ =	shalt  }
0x77: {  	_ =	shalt  }
0x78: {  	_ =	shalt  }
0x79: {  	_ =	shalt  }
0x7a: {  	_ =	shalt  }
0x7b: {  	_ =	shalt  }
0x7c: {  	_ =	shalt  }
0x7d: {  	_ =	shalt  }
0x7e: {  	_ =	shalt  }
0x7f: {  	_ =	shalt  }
0x80: {  	_ =	shalt  }
0x81: {  	_ =	shalt  }
0x82: {  	_ =	shalt  }
0x83: {  	_ =	shalt  }
0x84: {  	_ =	shalt  }
0x85: {  	_ =	shalt  }
0x86: {  	_ =	shalt  }
0x87: {  	_ =	shalt  }
.Lfunc_end0:
.L_simem_size_0:
called_computation.2_lowered:
.L_overlay_start_0:
0x88: {  	s2 =	sld [smem:$0x3FD9]  }
0x89: {  	s3 =	sld [smem:$0x3FFE];
	_ =	sdelay $0x1  }
0x8a: {  	s1 =	srdreg.scid  }
0x8b: {  	s0 =	sand.u32 $0x1, s1  }
0x8c: {  	s17 =	sshll.u32 s0, $0xA;
	s2 =	sadd.s32 s3, s2  }
0x8d: {  	s2 =	sadd.s32 s2, s17  }
0x8e: {  	[smem:$0x3FC1] =	sst s2  }
0x8f: {  	_ = 	snop  }
0x90: {  	(tm) =	ssettm $0x1  }
0x91: {  	s18 =	sld [smem:$0x3FFB];
	_ =	sdelay $0x3  }
0x92: {  	_ =	strace s18  }
0x93: {  	s2 =	sld [smem:$0x3FFC];
	_ =	sdelay $0x3  }
0x94: {  	_ =	strace s2  }
0x95: {  	s2 =	sld [smem:$0x3FFD];
	_ =	sdelay $0x3  }
0x96: {  	_ =	strace s2  }
0x97: {  	_ =	strace $0x8FFFFFFF  }
0x98: {  	s19 =	sld [smem:$0x3FDB];
	_ =	sdelay $0x1  }
0x99: {  	s20 =	simm.s32 $_scs_section_size  }
0x9a: {  	s4 =	simm.s32 $_size__tile_overlayer_lowered;
	s5 =	simm.s32 $_tile_overlayer_lowered  }
0x9b: {  	s6 =	simm.s32 $0x1BFF;
	s21 =	sshll.u32 s5, $0x1;
	s3 =	sadd.s32 s20, s19  }
0x9c: {  	s22 =	simm.s32 $0x0;
	s4 =	sshll.u32 s4, $0x1;
	s5 =	sadd.s32 s21, s3  }
0x9d: {  	[timem:s22], [sflag:s6] =	dma.local [hbm:s5], s4  }
0x9e: {  	_ =	swait.ge [sflag:s6], s4  }
0x9f: {  	s4 =	ssub.s32 $0x0, s4;
	[sflag:s6] =	ssyncset.done $0x0  }
0xa0: {  	[sflag:s6] =	ssyncadd.s32 s4;
	_ =	sdelay $0x1  }
0xa1: {  	s23 =	simm.s32 $0x1B8B  }
0xa2: {  	_ =	swait.ge [sflag:s23], $0x1  }
0xa3: {  	[sflag:s23] =	ssyncset.done $0x0  }
0xa4: {  	[sflag:s23] =	ssyncadd.s32 $0xFFFFFFFF  }
0xa5: {  	s4 =	sld [smem:$0x0]  }
0xa6: {  	s5 =	sand.u32 $0xFFFFFFFE, s1  }
0xa7: {  	p0 =	sne.s32 s1, s5  }
0xa8: {  	s5 =	sshll.u32 @p0 s5, $0xE  }
0xa9: {  	s5 =	sadd.s32 @p0 $0x11B8D, s5;
	s6 =	sshll.u32 @p0 s4, $0x11  }
0xaa: {  	s5 =	sor.u32 @p0 s6, s5  }
0xab: {  	[sflag:s5] =	ssyncadd.remote.s32 @p0 $0x1;
	_ =	sdelay $0x1  }
0xac: {  	s5 =	simm.s32 @p0 $0x1B8D  }
0xad: {  	_ =	swait.eq @p0 [sflag:s5], $0x1  }
0xae: {  	[sflag:s5] =	ssyncadd.s32 @p0 $0xFFFFFFFF  }
0xaf: {  	s6 =	sshll.u32 @!p0 s1, $0xE  }
0xb0: {  	s6 =	sor.u32 @!p0 $0x4000, s6;
	s5 =	simm.s32 @!p0 $0x1B8D  }
0xb1: {  	s4 =	sshll.u32 @!p0 s4, $0x11;
	s6 =	sadd.s32 @!p0 $0x11B8D, s6;
	_ =	swait.eq @!p0 [sflag:s5], $0x1  }
0xb2: {  	s4 =	sor.u32 @!p0 s4, s6;
	[sflag:s5] =	ssyncadd.s32 @!p0 $0xFFFFFFFF  }
0xb3: {  	s25 =	simm.s32 $0x1B8E;
	s24 =	sld [smem:$0x3FFE];
	[sflag:s4] =	ssyncadd.remote.s32 @!p0 $0x1  }
0xb4: {  	s26 =	simm.s32 $execute0_lowered;
	[smem:$0x3FD2] =	sst s25  }
0xb5: {  	s5 =	sshll.u32 s26, $0x1;
	_ =	strace $0x8000004C;
	[dreg:$0x1] =	wrdreg $0xFFFFFFFF  }
0xb6: {  	s28 =	simm.s32 $_size_execute0_lowered;
	s3 =	sadd.s32 s3, s5;
	[dreg:$0x0] =	wrdreg $0x0  }
0xb7: {  	s5 =	sshll.u32 s28, $0x1;
	[dreg:$0x2] =	wrdreg s3  }
0xb8: {  	[dreg:$0x3] =	wrdreg s5  }
0xb9: {  	[dreg:$0x4] =	wrdreg $0xC0  }
0xba: {  	_ =	task [dreg:s22], $0x5FFFF  }
0xbb: {  	[dreg:$0x1] =	wrdreg $0xFFFFFFFF  }
0xbc: {  	[dreg:$0x0] =	wrdreg $0x60  }
0xbd: {  	[dreg:$0x2] =	wrdreg s24  }
0xbe: {  	[dreg:$0x3] =	wrdreg $0xA  }
0xbf: {  	_ =	task.clear_ibuf [dreg:s22], $0x4FFFF;
	_ =	strace $0x9000004C  }
0xc0: {  	s29 =	simm.s32 $0xA;
	_ =	strace $0x8000004E  }
0xc1: {  	_ =	swait.ge [sflag:s29], $0x1  }
0xc2: {  	[sflag:s29] =	ssyncadd.s32 $0xFFFFFFFF  }
0xc3: {  	_ =	strace $0x9000004E  }
0xc4: {  	_ =	sfence  }
0xc5: {  	s30 =	sld [smem:$0x0];
	_ =	sdelay $0x2  }
0xc6: {  	s31 =	sshll.u32 s1, $0xD;
	s1 =	sshrl.u32 s1, $0x2  }
0xc7: {  	s4 =	sand.u32 $0x4000, s31;
	s1 =	sadd.s32 s1, s30  }
0xc8: {  	s0 =	sor.u32 s4, s0;
	s1 =	sshll.u32 s1, $0x11  }
0xc9: {  	s0 =	sor.u32 s1, s0  }
0xca: {  	s0 =	sadd.s32 $0x8F2B, s0  }
0xcb: {  	[sflag:s0] =	ssyncadd.remote.s32 $0x1  }
0xcc: {  	_ =	sfence.sel $0xFFFF  }
0xcd: {  	[dreg:$0x0] =	wrdreg $0xFFFFFFFF;
	(pc) =	sbr.abs _section_cstart, $3  }
0xce: {  	[dreg:$0x1] =	wrdreg $0xFFFFFFFF  }
0xcf: {  	_ =	task.clear_ibuf [dreg:s22], $0x2FFFF;
	_ =	strace $0x9FFFFFFF  }
0xd0: {  	(tm) =	ssettm $0x7FFFFFFF  }
0xd1: {  	_ =	shalt  }
tec
execute0_lowered:
.L_overlay_start_1:
0x0: {  	(tag) =	ssettag $0x1  }
0x1: {  	s1 =	srdreg.scid  }
0x2: {  	s0 =	stileid.u32;
	s4 =	rddreg [dreg:$0x0]  }
0x3: {  	s2 =	simm.s32 $0x0;
	s9 =	simm.s32 $0x80;
	s10 =	simm.s32 $0x1  }
0x4: {  	s3 =	sand.u32 $0x1, s1;
	s5 =	sshll.u32 s0, $0x1;
	s1 =	rddreg [dreg:$0x1]  }
0x5: {  	s11 =	simm.s32 $0x0;
	[smem:$0x7FF] =	sst s2;
	s5 =	sor.u32 s3, s5  }
0x6: {  	_ =	strace $0x8000004D;
	s7 =	ssub.s32 $0x2, s3;
	s6 =	smul.u32 $0x320, s5  }
0x7: {  	s3 =	sadd.s32 $0x15EE200, s4;
	s8 =	sshrl.u32 s7, $0x1;
	s5 =	smul.u32 $0x32, s5  }
0x8: {  	s7 =	ssub.s32 s7, s8;
	s8 =	simm.s32 $0x2;
	s6 =	sadd.s32 s6, s4  }
0x9: {  	s4 =	sadd.s32 $0x2530600, s4;
	s7 =	smax.u32 s7, $0x1;
	s6 =	sadd.s32 $0x1A00, s6  }
.LBB2_1:
0xa: {  	[tilespmem:s2], [sflag:$0x2] =	stream.linear.gather [hbm4b:s6+s2], $0x1900, $0x38;
	[tilespmem:$0x5900] =	vst v63  }
0xb: {  	_ =	swait.ge [sflag:s8], $0x1900  }
0xc: {  	[sflag:s8] =	ssyncset.done $0x0  }
0xd: {  	s12 =	simm.s32 $0x0;
	[sflag:s8] =	ssyncadd.s32 $0xFFFFE700  }
.LBB2_2:
0xe: {  	s13 =	sshll.u32 s12, $0x7  }
0xf: {  	s31 =	sadd.s32 s5, s12;
	s14 =	sand.u32 $0x3FFFFF80, s13;
	s13 =	simm.s32 $0x1900  }
0x10: {  	[tilespmem:s13], [sflag:$0x1] =	stream.indirect.gather [hbm4b:s3+s9], $0x80, s14, s9, $0xb8;
	[tilespmem:$0x5900] =	vst v63  }
0x11: {  	s14 =	sshll.u32 s31, $0xB;
	_ =	swait.ge [sflag:s10], $0x4000  }
0x12: {  	s15 =	simm.s32 $0x10;
	s14 =	sadd.s32 s4, s14;
	[sflag:s10] =	ssyncset.done $0x0  }
0x13: {  	s16 =	simm.s32 $0x1980;
	s17 =	sadd.s32 $0x0, s14;
	[sflag:s10] =	ssyncadd.s32 $0xFFFFC000  }
.LBB2_3:
0x14: {  	[hbm4b:s17+s2] =	stream.linear.scatter [tilespmem:s13], [sflag:$0x2], $0x20, $0x38;
	[tilespmem:$0x5900] =	vst v63  }
0x15: {  	s17 =	smov.u32 s15;
	s13 =	smov.u32 s16;
	p0 =	sne.s32 s15, $0x7F0  }
.Ltmp0:
0x16: {  	s15 =	sadd.s32 $0x10, s15;
	(pc) =	sbr.rel @p0 .LBB2_3-.Ltmp0, $2  }
0x17: {  	_ =	sdelay $0x2  }
0x18: {  	s16 =	sadd.s32 $0x80, s16;
	s17 =	sadd.s32 s17, s14  }
0x19: {  	s12 =	sadd.s32 $0x1, s12  }
0x1a: {  	p0 =	sne.s32 s12, $0x32  }
.Ltmp1:
0x1b: {  	_ = 	snop;
	(pc) =	sbr.rel @p0 .LBB2_2-.Ltmp1, $4  }
0x1c: {  	[hbm4b:s17+s2] =	stream.linear.scatter [tilespmem:s13], [sflag:$0x2], $0x20, $0x38;
	[tilespmem:$0x5900] =	vst v63  }
0x1d: {  	_ =	swait.ge [sflag:s8], $0x1000  }
0x1e: {  	[sflag:s8] =	ssyncset.done $0x0  }
0x1f: {  	[sflag:s8] =	ssyncadd.s32 $0xFFFFF000  }
0x20: {  	s11 =	sadd.s32 $0x1, s11  }
0x21: {  	p0 =	sne.s32 s11, s7  }
.Ltmp2:
0x22: {  	_ = 	snop;
	(pc) =	sbr.rel @p0 .LBB2_1-.Ltmp2, $1  }
0x23: {  	_ =	sdelay $0x3  }
0x24: {  	_ =	sfence.sel $0x180000  }
0x25: {  	[bflag:$0x0] =	sbarrier.arrive $0xFFFF  }
0x26: {  	p0 =	sne.s32 s0, $0x0;
	_ =	strace $0x9000004D  }
0x27: {  	s0 =	sadd.s32 @!p0 $0x100000, s1;
	[bflag:$0x2] =	sbarrier.arrive $0xFFFF  }
0x28: {  	[sflag:s0] =	ssyncadd.tile.s32 @!p0 $0x1;
	_ =	shalt  }
.Lfunc_end2:
_tile_overlayer_lowered:
.L_overlay_start_2:
0x29: {  	(tag) =	ssettag $0x2  }
0x2a: {  	s0 =	rddreg [dreg:$0x0];
	s2 =	stileid.u32  }
0x2b: {  	s1 =	rddreg [dreg:$0x1];
	p0 =	sne.s32 s2, $0x0  }
0x2c: {  	s3 =	rddreg [dreg:$0x2];
	[bflag:$0x3] =	sbarrier.arrive $0xFFFF;
	s2 =	simm.s32 @!p0 $0x1C02  }
0x2d: {  	[timem:s3], [sflag:s2] =	dma.local @!p0 [hbm:s0], s1  }
0x2e: {  	s0 =	simm.s32 @!p0 $0x2  }
0x2f: {  	_ =	swait.ge @!p0 [sflag:s0], s1  }
0x30: {  	s1 =	ssub.s32 @!p0 $0x0, s1;
	[sflag:s0] =	ssyncset.done @!p0 $0x0  }
0x31: {  	[sflag:s0] =	ssyncadd.s32 @!p0 s1  }
0x32: {  	[bflag:$0x3] =	sbarrier.arrive $0xFFFF  }
0x33: {  	_ =	shalt  }

// kernel: sc_scatter_pos.3.cloned.1.call-start
scs
__scs_entry_jumppad:
0x0: {  	(pc) =	sbr.rel $0x88, $3  }
0x1: {  	(tag) =	ssettag $0x0;
	lr =	simm.s32 $0x1  }
0x2: {  	[smem:$0x3F9A] =	sst lr;
	_ =	strace $0xD0000000  }
0x3: {  	_ = 	snop  }
0x4: {  	_ = 	snop  }
0x5: {  	_ = 	snop  }
0x6: {  	_ = 	snop  }
0x7: {  	_ = 	snop  }
__scs_overlays_trampoline_lowered:
0x8: {  	[smem:$0x3FA9] =	sst s0  }
0x9: {  	[smem:$0x3FAA] =	sst s1  }
0xa: {  	[smem:$0x3FAB] =	sst s2  }
0xb: {  	[smem:$0x3FAC] =	sst s3  }
0xc: {  	[smem:$0x3FAD] =	sst s4  }
0xd: {  	[smem:$0x3FAE] =	sst s5  }
0xe: {  	[smem:$0x3FAF] =	sst s6  }
0xf: {  	[smem:$0x3FB0] =	sst s7  }
0x10: {  	[smem:$0x3FB1] =	sst s8  }
0x11: {  	[smem:$0x3FB2] =	sst s9;
	s0 =	simm.s32 @!p0 $0x0  }
0x12: {  	s1 =	sld [smem:$0x3F98];
	s0 =	simm.s32 @p0 $0x1  }
0x13: {  	[smem:$0x3FB3] =	sst s0;
	s0 =	simm.s32 @!p1 $0x0  }
0x14: {  	s2 =	sld [smem:$0x3F97];
	s0 =	simm.s32 @p1 $0x1  }
0x15: {  	[smem:$0x3FB4] =	sst s0;
	s0 =	simm.s32 @!p2 $0x0  }
0x16: {  	s3 =	sld [smem:$0x3FDB];
	s0 =	simm.s32 @p2 $0x1  }
0x17: {  	s4 =	simm.s32 $0x1BF5;
	[smem:$0x3FB6] =	sst s0  }
0x18: {  	s0 =	sld [smem:$0x3F99];
	_ =	swait.ge [sflag:s4], $0x0  }
0x19: {  	s7 =	sld [smem:$0x3F9A]  }
0x1a: {  	s8 =	sadd.s32 $0xFFFFE003, lr  }
0x1b: {  	s9 =	sadd.s32 $0xFFFFFEF7, lr;
	s5 =	simm.s32 $0xFFFFFFFF;
	p2 =	slt.u32 s8, $0xFFFFF086  }
0x1c: {  	p1 =	slt.u32 s9, $0xF7A;
	s5 =	simm.s32 @!p2 $0x0  }
0x1d: {  	s5 =	simm.s32 @p1 $0x1;
	p0 =	seq.s32 s7, s2  }
0x1e: {  	s7 =	smul.u32 @!p0 $0xF7A, s2;
	p2 =	seq.s32 @!p0 s5, $0x0  }
0x1f: {  	s9 =	smul.u32 $0xF7A, s1;
	s8 =	simm.s32 @!p0 $0x1BF5;
	p2 =	por !p2, p0  }
0x20: {  	[sflag:s8] =	ssyncset.s32 @!p0 $0xFFFFF086;
	s6 =	sadd.s32 @!p0 s3, s7;
	s7 =	simm.s32 @!p0 $0x108  }
0x21: {  	s3 =	sadd.s32 s3, s9;
	s6 =	sadd.s32 @!p0 $0x88, s6;
	s7 =	simm.s32 @p2 $0x1082  }
0x22: {  	[simem:s7], [sflag:s8] =	dma.local @!p0 [hbm:s6], $0xF7A  }
0x23: {  	s9 =	sor.u32 $0xD0000000, s2;
	s6 =	simm.s32 $0x108;
	_ =	swait.ge @!p0 [sflag:s8], $0x0  }
0x24: {  	s3 =	sadd.s32 $0x88, s3;
	s6 =	simm.s32 @!p1 $0x1082;
	[sflag:s4] =	ssyncset.s32 $0xFFFFF086  }
0x25: {  	[simem:s6], [sflag:s4] =	dma.local [hbm:s3], $0xF7A  }
0x26: {  	[smem:$0x3F9A] =	sst s1;
	(tag) =	ssettag s2;
	_ =	strace s9  }
0x27: {  	s1 =	sld [smem:$0x3FAA]  }
0x28: {  	s2 =	sld [smem:$0x3FAB]  }
0x29: {  	s4 =	sld [smem:$0x3FAD]  }
0x2a: {  	p0 =	seq.s32 s5, $0x0;
	s5 =	sld [smem:$0x3FAE]  }
0x2b: {  	s6 =	sld [smem:$0x3FAF]  }
0x2c: {  	s7 =	sld [smem:$0x3FB0]  }
0x2d: {  	s3 =	simm.s32 $0x108;
	s8 =	sld [smem:$0x3FB1]  }
0x2e: {  	s3 =	simm.s32 @!p0 $0x1082;
	s9 =	sld [smem:$0x3FB2]  }
0x2f: {  	lr =	sadd.s32 s0, s3;
	s0 =	sld [smem:$0x3FA9]  }
0x30: {  	s3 =	sld [smem:$0x3FAC]  }
0x31: {  	[smem:$0x3FB5] =	sst s10  }
0x32: {  	s10 =	sld [smem:$0x3FB3];
	_ =	sdelay $0x3  }
0x33: {  	p0 =	seq.s32 s10, $0x1;
	s10 =	sld [smem:$0x3FB5];
	_ =	sdelay $0x3  }
0x34: {  	[smem:$0x3FB5] =	sst s10  }
0x35: {  	s10 =	sld [smem:$0x3FB4];
	_ =	sdelay $0x3  }
0x36: {  	p1 =	seq.s32 s10, $0x1;
	s10 =	sld [smem:$0x3FB5];
	_ =	sdelay $0x3  }
0x37: {  	[smem:$0x3FB5] =	sst s10  }
0x38: {  	s10 =	sld [smem:$0x3FB6]  }
0x39: {  	_ = 	snop;
	(pc) =	sbr.ind lr, $3  }
0x3a: {  	_ = 	snop  }
0x3b: {  	_ = 	snop  }
0x3c: {  	p2 =	seq.s32 s10, $0x1;
	s10 =	sld [smem:$0x3FB5]  }
0x3d: {  	_ =	shalt  }
0x3e: {  	_ =	shalt  }
0x3f: {  	_ =	shalt  }
0x40: {  	_ =	shalt  }
0x41: {  	_ =	shalt  }
0x42: {  	_ =	shalt  }
0x43: {  	_ =	shalt  }
0x44: {  	_ =	shalt  }
0x45: {  	_ =	shalt  }
0x46: {  	_ =	shalt  }
0x47: {  	_ =	shalt  }
0x48: {  	_ =	shalt  }
0x49: {  	_ =	shalt  }
0x4a: {  	_ =	shalt  }
0x4b: {  	_ =	shalt  }
0x4c: {  	_ =	shalt  }
0x4d: {  	_ =	shalt  }
0x4e: {  	_ =	shalt  }
0x4f: {  	_ =	shalt  }
0x50: {  	_ =	shalt  }
0x51: {  	_ =	shalt  }
0x52: {  	_ =	shalt  }
0x53: {  	_ =	shalt  }
0x54: {  	_ =	shalt  }
0x55: {  	_ =	shalt  }
0x56: {  	_ =	shalt  }
0x57: {  	_ =	shalt  }
0x58: {  	_ =	shalt  }
0x59: {  	_ =	shalt  }
0x5a: {  	_ =	shalt  }
0x5b: {  	_ =	shalt  }
0x5c: {  	_ =	shalt  }
0x5d: {  	_ =	shalt  }
0x5e: {  	_ =	shalt  }
0x5f: {  	_ =	shalt  }
0x60: {  	_ =	shalt  }
0x61: {  	_ =	shalt  }
0x62: {  	_ =	shalt  }
0x63: {  	_ =	shalt  }
0x64: {  	_ =	shalt  }
0x65: {  	_ =	shalt  }
0x66: {  	_ =	shalt  }
0x67: {  	_ =	shalt  }
0x68: {  	_ =	shalt  }
0x69: {  	_ =	shalt  }
0x6a: {  	_ =	shalt  }
0x6b: {  	_ =	shalt  }
0x6c: {  	_ =	shalt  }
0x6d: {  	_ =	shalt  }
0x6e: {  	_ =	shalt  }
0x6f: {  	_ =	shalt  }
0x70: {  	_ =	shalt  }
0x71: {  	_ =	shalt  }
0x72: {  	_ =	shalt  }
0x73: {  	_ =	shalt  }
0x74: {  	_ =	shalt  }
0x75: {  	_ =	shalt  }
0x76: {  	_ =	shalt  }
0x77: {  	_ =	shalt  }
0x78: {  	_ =	shalt  }
0x79: {  	_ =	shalt  }
0x7a: {  	_ =	shalt  }
0x7b: {  	_ =	shalt  }
0x7c: {  	_ =	shalt  }
0x7d: {  	_ =	shalt  }
0x7e: {  	_ =	shalt  }
0x7f: {  	_ =	shalt  }
0x80: {  	_ =	shalt  }
0x81: {  	_ =	shalt  }
0x82: {  	_ =	shalt  }
0x83: {  	_ =	shalt  }
0x84: {  	_ =	shalt  }
0x85: {  	_ =	shalt  }
0x86: {  	_ =	shalt  }
0x87: {  	_ =	shalt  }
.Lfunc_end0:
.L_simem_size_0:
called_computation_lowered:
.L_overlay_start_0:
0x88: {  	s2 =	sld [smem:$0x3FD9]  }
0x89: {  	s3 =	sld [smem:$0x3FFE];
	_ =	sdelay $0x1  }
0x8a: {  	s1 =	srdreg.scid  }
0x8b: {  	s0 =	sand.u32 $0x1, s1  }
0x8c: {  	s16 =	sshll.u32 s0, $0xA;
	s2 =	sadd.s32 s3, s2  }
0x8d: {  	s2 =	sadd.s32 s2, s16  }
0x8e: {  	[smem:$0x3FC1] =	sst s2  }
0x8f: {  	_ = 	snop  }
0x90: {  	(tm) =	ssettm $0x1  }
0x91: {  	s17 =	sld [smem:$0x3FFB];
	_ =	sdelay $0x3  }
0x92: {  	_ =	strace s17  }
0x93: {  	s2 =	sld [smem:$0x3FFC];
	_ =	sdelay $0x3  }
0x94: {  	_ =	strace s2  }
0x95: {  	s2 =	sld [smem:$0x3FFD];
	_ =	sdelay $0x3  }
0x96: {  	_ =	strace s2  }
0x97: {  	_ =	strace $0x8FFFFFFF  }
0x98: {  	s18 =	sld [smem:$0x3FDB];
	_ =	sdelay $0x1  }
0x99: {  	s19 =	simm.s32 $_scs_section_size  }
0x9a: {  	s4 =	simm.s32 $_size__tile_overlayer_lowered;
	s5 =	simm.s32 $_tile_overlayer_lowered  }
0x9b: {  	s22 =	simm.s32 $0x1BFF;
	s21 =	sshll.u32 s5, $0x1;
	s2 =	sadd.s32 s19, s18  }
0x9c: {  	s6 =	simm.s32 $0x0;
	s20 =	sshll.u32 s4, $0x1;
	s4 =	sadd.s32 s21, s2  }
0x9d: {  	[timem:s6], [sflag:s22] =	dma.local [hbm:s4], s20  }
0x9e: {  	_ =	swait.ge [sflag:s22], s20  }
0x9f: {  	s3 =	ssub.s32 $0x0, s20;
	[sflag:s22] =	ssyncset.done $0x0  }
0xa0: {  	[sflag:s22] =	ssyncadd.s32 s3;
	_ =	sdelay $0x1  }
0xa1: {  	s23 =	simm.s32 $0x1B8B  }
0xa2: {  	_ =	swait.ge [sflag:s23], $0x1  }
0xa3: {  	[sflag:s23] =	ssyncset.done $0x0  }
0xa4: {  	s25 =	simm.s32 $0x1B8E;
	s24 =	sld [smem:$0x3FFE];
	[sflag:s23] =	ssyncadd.s32 $0xFFFFFFFF  }
0xa5: {  	s26 =	simm.s32 $execute0_lowered;
	[smem:$0x3FD2] =	sst s25  }
0xa6: {  	s4 =	sshll.u32 s26, $0x1;
	_ =	strace $0x80000046;
	[dreg:$0x1] =	wrdreg $0xFFFFFFFF  }
0xa7: {  	s28 =	simm.s32 $_size_execute0_lowered;
	s2 =	sadd.s32 s2, s4;
	[dreg:$0x0] =	wrdreg $0x0  }
0xa8: {  	s4 =	sshll.u32 s28, $0x1;
	[dreg:$0x2] =	wrdreg s2  }
0xa9: {  	[dreg:$0x3] =	wrdreg s4  }
0xaa: {  	[dreg:$0x4] =	wrdreg $0xC0  }
0xab: {  	_ =	task [dreg:s6], $0x5FFFF  }
0xac: {  	[dreg:$0x1] =	wrdreg $0xFFFFFFFF  }
0xad: {  	[dreg:$0x0] =	wrdreg $0x60  }
0xae: {  	[dreg:$0x2] =	wrdreg s24  }
0xaf: {  	[dreg:$0x3] =	wrdreg $0x9  }
0xb0: {  	_ =	task.clear_ibuf [dreg:s6], $0x4FFFF;
	_ =	strace $0x90000046  }
0xb1: {  	s29 =	simm.s32 $0x9;
	_ =	strace $0x80000048  }
0xb2: {  	_ =	swait.ge [sflag:s29], $0x1  }
0xb3: {  	[sflag:s29] =	ssyncadd.s32 $0xFFFFFFFF  }
0xb4: {  	_ =	strace $0x90000048  }
0xb5: {  	_ =	sfence  }
0xb6: {  	s30 =	sld [smem:$0x0];
	_ =	sdelay $0x2  }
0xb7: {  	s31 =	sshll.u32 s1, $0xD;
	s1 =	sshrl.u32 s1, $0x2  }
0xb8: {  	s3 =	sand.u32 $0x4000, s31;
	s1 =	sadd.s32 s1, s30  }
0xb9: {  	s0 =	sor.u32 s3, s0;
	s1 =	sshll.u32 s1, $0x11  }
0xba: {  	s0 =	sor.u32 s1, s0  }
0xbb: {  	s0 =	sadd.s32 $0x8F2B, s0  }
0xbc: {  	[sflag:s0] =	ssyncadd.remote.s32 $0x1  }
0xbd: {  	_ =	sfence.sel $0xFFFF  }
0xbe: {  	[dreg:$0x0] =	wrdreg $0xFFFFFFFF;
	(pc) =	sbr.abs _section_cstart, $3  }
0xbf: {  	[dreg:$0x1] =	wrdreg $0xFFFFFFFF  }
0xc0: {  	_ =	task.clear_ibuf [dreg:s6], $0x2FFFF;
	_ =	strace $0x9FFFFFFF  }
0xc1: {  	(tm) =	ssettm $0x7FFFFFFF  }
tec
execute0_lowered:
.L_overlay_start_1:
0x0: {  	(tag) =	ssettag $0x1  }
0x1: {  	s3 =	rddreg [dreg:$0x0];
	s2 =	srdreg.scid  }
0x2: {  	s1 =	stileid.u32;
	s0 =	rddreg [dreg:$0x1];
	s9 =	simm.s32 $0x80  }
0x3: {  	s10 =	simm.s32 $0x2100;
	s11 =	simm.s32 $0x2900;
	s12 =	simm.s32 $0x3100  }
0x4: {  	s13 =	simm.s32 $0x3900;
	s14 =	simm.s32 $0x4100;
	s15 =	simm.s32 $0x4900  }
0x5: {  	s16 =	simm.s32 $0x5100;
	s17 =	simm.s32 $0x5900;
	s18 =	simm.s32 $0x6100  }
0x6: {  	s19 =	simm.s32 $0x1;
	s20 =	simm.s32 $0x0;
	s4 =	sand.u32 $0x1, s2  }
0x7: {  	s5 =	smul.u32 $0x32000, s1;
	s2 =	simm.s32 $0x0;
	s6 =	sshll.u32 s1, $0x1  }
0x8: {  	s7 =	smul.u32 $0x19000, s4;
	s6 =	sor.u32 s4, s6;
	s4 =	ssub.s32 $0x2, s4  }
0x9: {  	[smem:$0x7FF] =	sst s2;
	s6 =	smul.u32 $0x320, s6;
	s30 =	sshrl.u32 s4, $0x1  }
0xa: {  	_ =	strace $0x80000047;
	s5 =	sadd.s32 s7, s5;
	s31 =	ssub.s32 s4, s30  }
0xb: {  	s7 =	simm.s32 $0x2;
	s5 =	sshrl.u32 s5, $0x3;
	s6 =	sadd.s32 s6, s3  }
0xc: {  	s8 =	sadd.s32 s5, s3;
	s3 =	sadd.s32 $0x7E00, s3;
	s4 =	sadd.s32 $0x1A00, s6  }
0xd: {  	s5 =	smax.u32 s31, $0x1;
	s6 =	sadd.s32 $0x327E00, s8;
	s8 =	simm.s32 $0x1900  }
.LBB2_1:
0xe: {  	[tilespmem:s2], [sflag:$0x2] =	stream.linear.gather [hbm4b:s4+s2], $0x1900, $0x38;
	[tilespmem:$0x6900] =	vst v63  }
0xf: {  	_ =	swait.ge [sflag:s7], $0x1900  }
0x10: {  	[sflag:s7] =	ssyncset.done $0x0  }
0x11: {  	[sflag:s7] =	ssyncadd.s32 $0xFFFFE700  }
0x12: {  	[tilespmem:s8], [sflag:$0x2] =	stream.linear.gather [hbm4b:s6+s2], $0x5000, $0x38;
	[tilespmem:$0x6900] =	vst v63  }
0x13: {  	_ =	swait.ge [sflag:s7], $0x5000  }
0x14: {  	[sflag:s7] =	ssyncset.done $0x0  }
0x15: {  	s21 =	simm.s32 $0x0;
	[sflag:s7] =	ssyncadd.s32 $0xFFFFB000  }
0x16: {  	[hbm4b:s3+s9] =	stream.indirect.scatter [tilespmem:s8], [sflag:$0x1], $0x10, s21, s9, $0xb8;
	[tilespmem:$0x6900] =	vst v63  }
0x17: {  	s22 =	simm.s32 $0x80  }
0x18: {  	[hbm4b:s3+s9] =	stream.indirect.scatter [tilespmem:s10], [sflag:$0x1], $0x10, s22, s9, $0xb8;
	[tilespmem:$0x6900] =	vst v63  }
0x19: {  	s23 =	simm.s32 $0x100  }
0x1a: {  	[hbm4b:s3+s9] =	stream.indirect.scatter [tilespmem:s11], [sflag:$0x1], $0x10, s23, s9, $0xb8;
	[tilespmem:$0x6900] =	vst v63  }
0x1b: {  	s24 =	simm.s32 $0x180  }
0x1c: {  	[hbm4b:s3+s9] =	stream.indirect.scatter [tilespmem:s12], [sflag:$0x1], $0x10, s24, s9, $0xb8;
	[tilespmem:$0x6900] =	vst v63  }
0x1d: {  	s25 =	simm.s32 $0x200  }
0x1e: {  	[hbm4b:s3+s9] =	stream.indirect.scatter [tilespmem:s13], [sflag:$0x1], $0x10, s25, s9, $0xb8;
	[tilespmem:$0x6900] =	vst v63  }
0x1f: {  	s26 =	simm.s32 $0x280  }
0x20: {  	[hbm4b:s3+s9] =	stream.indirect.scatter [tilespmem:s14], [sflag:$0x1], $0x10, s26, s9, $0xb8;
	[tilespmem:$0x6900] =	vst v63  }
0x21: {  	s28 =	simm.s32 $0x300  }
0x22: {  	[hbm4b:s3+s9] =	stream.indirect.scatter [tilespmem:s15], [sflag:$0x1], $0x10, s28, s9, $0xb8;
	[tilespmem:$0x6900] =	vst v63  }
0x23: {  	s29 =	simm.s32 $0x380  }
0x24: {  	[hbm4b:s3+s9] =	stream.indirect.scatter [tilespmem:s16], [sflag:$0x1], $0x10, s29, s9, $0xb8;
	[tilespmem:$0x6900] =	vst v63  }
0x25: {  	s30 =	simm.s32 $0x400  }
0x26: {  	[hbm4b:s3+s9] =	stream.indirect.scatter [tilespmem:s17], [sflag:$0x1], $0x10, s30, s9, $0xb8;
	[tilespmem:$0x6900] =	vst v63  }
0x27: {  	s31 =	simm.s32 $0x480  }
0x28: {  	[hbm4b:s3+s9] =	stream.indirect.scatter [tilespmem:s18], [sflag:$0x1], $0x10, s31, s9, $0xb8;
	[tilespmem:$0x6900] =	vst v63  }
0x29: {  	_ =	swait.ge [sflag:s19], $0x800  }
0x2a: {  	[sflag:s19] =	ssyncset.done $0x0  }
0x2b: {  	[sflag:s19] =	ssyncadd.s32 $0xFFFFF800  }
0x2c: {  	_ =	swait.ge [sflag:s19], $0x800  }
0x2d: {  	[sflag:s19] =	ssyncset.done $0x0  }
0x2e: {  	[sflag:s19] =	ssyncadd.s32 $0xFFFFF800  }
0x2f: {  	_ =	swait.ge [sflag:s19], $0x800  }
0x30: {  	[sflag:s19] =	ssyncset.done $0x0  }
0x31: {  	[sflag:s19] =	ssyncadd.s32 $0xFFFFF800  }
0x32: {  	_ =	swait.ge [sflag:s19], $0x800  }
0x33: {  	[sflag:s19] =	ssyncset.done $0x0  }
0x34: {  	[sflag:s19] =	ssyncadd.s32 $0xFFFFF800  }
0x35: {  	_ =	swait.ge [sflag:s19], $0x800  }
0x36: {  	[sflag:s19] =	ssyncset.done $0x0  }
0x37: {  	[sflag:s19] =	ssyncadd.s32 $0xFFFFF800  }
0x38: {  	_ =	swait.ge [sflag:s19], $0x800  }
0x39: {  	[sflag:s19] =	ssyncset.done $0x0  }
0x3a: {  	[sflag:s19] =	ssyncadd.s32 $0xFFFFF800  }
0x3b: {  	_ =	swait.ge [sflag:s19], $0x800  }
0x3c: {  	[sflag:s19] =	ssyncset.done $0x0  }
0x3d: {  	[sflag:s19] =	ssyncadd.s32 $0xFFFFF800  }
0x3e: {  	_ =	swait.ge [sflag:s19], $0x800  }
0x3f: {  	[sflag:s19] =	ssyncset.done $0x0  }
0x40: {  	[sflag:s19] =	ssyncadd.s32 $0xFFFFF800  }
0x41: {  	_ =	swait.ge [sflag:s19], $0x800  }
0x42: {  	[sflag:s19] =	ssyncset.done $0x0  }
0x43: {  	[sflag:s19] =	ssyncadd.s32 $0xFFFFF800  }
0x44: {  	_ =	swait.ge [sflag:s19], $0x800  }
0x45: {  	s21 =	simm.s32 $0x1400;
	s22 =	smov.u32 s6;
	[sflag:s19] =	ssyncset.done $0x0  }
.LBB2_2:
0x46: {  	p0 =	sne.s32 s21, $0x5000;
	[sflag:s19] =	ssyncadd.s32 $0xFFFFF800;
	s22 =	sadd.s32 $0xA00, s22  }
0x47: {  	[tilespmem:s8], [sflag:$0x2] =	stream.linear.gather [hbm4b:s22+s2], $0x5000, $0x38;
	[tilespmem:$0x6900] =	vst v63  }
0x48: {  	s23 =	smov.u32 s21;
	s21 =	sadd.s32 $0x1400, s21;
	_ =	swait.ge [sflag:s7], $0x5000  }
0x49: {  	[sflag:s7] =	ssyncset.done $0x0  }
0x4a: {  	s23 =	sshra.s32 s23, $0x2;
	[sflag:s7] =	ssyncadd.s32 $0xFFFFB000  }
0x4b: {  	[hbm4b:s3+s9] =	stream.indirect.scatter [tilespmem:s8], [sflag:$0x1], $0x10, s23, s9, $0xb8;
	[tilespmem:$0x6900] =	vst v63  }
0x4c: {  	s24 =	sadd.s32 $0x80, s23  }
0x4d: {  	[hbm4b:s3+s9] =	stream.indirect.scatter [tilespmem:s10], [sflag:$0x1], $0x10, s24, s9, $0xb8;
	[tilespmem:$0x6900] =	vst v63  }
0x4e: {  	s24 =	sadd.s32 $0x100, s23  }
0x4f: {  	[hbm4b:s3+s9] =	stream.indirect.scatter [tilespmem:s11], [sflag:$0x1], $0x10, s24, s9, $0xb8;
	[tilespmem:$0x6900] =	vst v63  }
0x50: {  	s24 =	sadd.s32 $0x180, s23  }
0x51: {  	[hbm4b:s3+s9] =	stream.indirect.scatter [tilespmem:s12], [sflag:$0x1], $0x10, s24, s9, $0xb8;
	[tilespmem:$0x6900] =	vst v63  }
0x52: {  	s24 =	sadd.s32 $0x200, s23  }
0x53: {  	[hbm4b:s3+s9] =	stream.indirect.scatter [tilespmem:s13], [sflag:$0x1], $0x10, s24, s9, $0xb8;
	[tilespmem:$0x6900] =	vst v63  }
0x54: {  	s24 =	sadd.s32 $0x280, s23  }
0x55: {  	[hbm4b:s3+s9] =	stream.indirect.scatter [tilespmem:s14], [sflag:$0x1], $0x10, s24, s9, $0xb8;
	[tilespmem:$0x6900] =	vst v63  }
0x56: {  	s24 =	sadd.s32 $0x300, s23  }
0x57: {  	[hbm4b:s3+s9] =	stream.indirect.scatter [tilespmem:s15], [sflag:$0x1], $0x10, s24, s9, $0xb8;
	[tilespmem:$0x6900] =	vst v63  }
0x58: {  	s24 =	sadd.s32 $0x380, s23  }
0x59: {  	[hbm4b:s3+s9] =	stream.indirect.scatter [tilespmem:s16], [sflag:$0x1], $0x10, s24, s9, $0xb8;
	[tilespmem:$0x6900] =	vst v63  }
0x5a: {  	s24 =	sadd.s32 $0x400, s23  }
0x5b: {  	[hbm4b:s3+s9] =	stream.indirect.scatter [tilespmem:s17], [sflag:$0x1], $0x10, s24, s9, $0xb8;
	[tilespmem:$0x6900] =	vst v63  }
0x5c: {  	s23 =	sadd.s32 $0x480, s23  }
0x5d: {  	[hbm4b:s3+s9] =	stream.indirect.scatter [tilespmem:s18], [sflag:$0x1], $0x10, s23, s9, $0xb8;
	[tilespmem:$0x6900] =	vst v63  }
0x5e: {  	_ =	swait.ge [sflag:s19], $0x800  }
0x5f: {  	[sflag:s19] =	ssyncset.done $0x0  }
0x60: {  	[sflag:s19] =	ssyncadd.s32 $0xFFFFF800  }
0x61: {  	_ =	swait.ge [sflag:s19], $0x800  }
0x62: {  	[sflag:s19] =	ssyncset.done $0x0  }
0x63: {  	[sflag:s19] =	ssyncadd.s32 $0xFFFFF800  }
0x64: {  	_ =	swait.ge [sflag:s19], $0x800  }
0x65: {  	[sflag:s19] =	ssyncset.done $0x0  }
0x66: {  	[sflag:s19] =	ssyncadd.s32 $0xFFFFF800  }
0x67: {  	_ =	swait.ge [sflag:s19], $0x800  }
0x68: {  	[sflag:s19] =	ssyncset.done $0x0  }
0x69: {  	[sflag:s19] =	ssyncadd.s32 $0xFFFFF800  }
0x6a: {  	_ =	swait.ge [sflag:s19], $0x800  }
0x6b: {  	[sflag:s19] =	ssyncset.done $0x0  }
0x6c: {  	[sflag:s19] =	ssyncadd.s32 $0xFFFFF800  }
0x6d: {  	_ =	swait.ge [sflag:s19], $0x800  }
0x6e: {  	[sflag:s19] =	ssyncset.done $0x0  }
0x6f: {  	[sflag:s19] =	ssyncadd.s32 $0xFFFFF800  }
0x70: {  	_ =	swait.ge [sflag:s19], $0x800  }
0x71: {  	[sflag:s19] =	ssyncset.done $0x0  }
0x72: {  	[sflag:s19] =	ssyncadd.s32 $0xFFFFF800  }
0x73: {  	_ =	swait.ge [sflag:s19], $0x800  }
0x74: {  	[sflag:s19] =	ssyncset.done $0x0  }
0x75: {  	[sflag:s19] =	ssyncadd.s32 $0xFFFFF800  }
.Ltmp0:
0x76: {  	_ =	swait.ge [sflag:s19], $0x800;
	(pc) =	sbr.rel @p0 .LBB2_2-.Ltmp0, $4  }
0x77: {  	[sflag:s19] =	ssyncset.done $0x0  }
0x78: {  	[sflag:s19] =	ssyncadd.s32 $0xFFFFF800  }
0x79: {  	_ =	swait.ge [sflag:s19], $0x800  }
0x7a: {  	[sflag:s19] =	ssyncset.done $0x0  }
0x7b: {  	s20 =	sadd.s32 $0x1, s20  }
0x7c: {  	p0 =	sne.s32 s20, s5  }
.Ltmp1:
0x7d: {  	_ = 	snop;
	(pc) =	sbr.rel @p0 .LBB2_1-.Ltmp1, $2  }
0x7e: {  	_ =	sdelay $0x2  }
0x7f: {  	[sflag:s19] =	ssyncadd.s32 $0xFFFFF800  }
0x80: {  	_ =	sfence.sel $0x180000  }
0x81: {  	[bflag:$0x0] =	sbarrier.arrive $0xFFFF  }
0x82: {  	p0 =	sne.s32 s1, $0x0;
	_ =	strace $0x90000047  }
0x83: {  	s0 =	sadd.s32 @!p0 $0x100000, s0;
	[bflag:$0x2] =	sbarrier.arrive $0xFFFF  }
0x84: {  	[sflag:s0] =	ssyncadd.tile.s32 @!p0 $0x1;
	_ =	shalt  }
.Lfunc_end2:
_tile_overlayer_lowered:
.L_overlay_start_2:
0x85: {  	(tag) =	ssettag $0x2  }
0x86: {  	s0 =	rddreg [dreg:$0x0];
	s2 =	stileid.u32  }
0x87: {  	s1 =	rddreg [dreg:$0x1];
	p0 =	sne.s32 s2, $0x0  }
0x88: {  	s3 =	rddreg [dreg:$0x2];
	[bflag:$0x3] =	sbarrier.arrive $0xFFFF;
	s2 =	simm.s32 @!p0 $0x1C02  }
0x89: {  	[timem:s3], [sflag:s2] =	dma.local @!p0 [hbm:s0], s1  }
0x8a: {  	s0 =	simm.s32 @!p0 $0x2  }
0x8b: {  	_ =	swait.ge @!p0 [sflag:s0], s1  }
0x8c: {  	s1 =	ssub.s32 @!p0 $0x0, s1;
	[sflag:s0] =	ssyncset.done @!p0 $0x0  }
0x8d: {  	[sflag:s0] =	ssyncadd.s32 @!p0 s1  }
0x8e: {  	[bflag:$0x3] =	sbarrier.arrive $0xFFFF  }
0x8f: {  	_ =	shalt  }

</sc_bundles>
